<compile_context>
chip_gen: v7x
topology: tpu7x:2x2x1
jax: 0.10.2.dev20260603
libtpu: 0.0.44.dev20260713+nightly
codegen_flags: <defaults>
</compile_context>

<pallas_src>
import functools

import jax
import jax.numpy as jnp
from jax import lax
from jax.experimental import pallas as pl
from jax.experimental.pallas import tpu as pltpu
from jax.experimental.pallas import tpu_sc as plsc

B = 16384
NU = 1000000
NI = 100000
NL = 100
NCAT = 1000
D = 64
H = 32

NC = 2
NS = 16
NW = NC * NS
BPW = B // NW

TILE = 512
CKH = 4096


def _proj_body(xt_ref, w_ref, out_ref):
  h = lax.dot_general(
      xt_ref[...], w_ref[...], (((0,), (0,)), ((), ())),
      preferred_element_type=jnp.float32)
  out_ref[...] = pltpu.bitcast(h.astype(jnp.bfloat16), jnp.uint32)


def _make_proj(n_pairs):
  grid = (n_pairs + CKH - 1) // CKH
  return pl.pallas_call(
      _proj_body,
      grid=(grid,),
      in_specs=[
          pl.BlockSpec((D, 2 * CKH), lambda i: (0, i)),
          pl.BlockSpec((D, 2 * D), lambda i: (0, 0)),
      ],
      out_specs=pl.BlockSpec((CKH, 2 * D), lambda i: (i, 0)),
      out_shape=jax.ShapeDtypeStruct((n_pairs, 2 * D), jnp.uint32),
      compiler_params=pltpu.CompilerParams(
          dimension_semantics=("arbitrary",)),
  )


_proj_u = _make_proj(NU // 2)
_proj_i = _make_proj(NI // 2)


def _sc_gather_body(uidx_h, iidx_h, utab, itab, u_out, i_out,
                    idx_v, rows_v, sem):
  wid = lax.axis_index("s") * NC + lax.axis_index("c")
  base = wid * BPW
  lanes = lax.iota(jnp.int32, 16)
  for idx_h, tab, out in ((uidx_h, utab, u_out), (iidx_h, itab, i_out)):
    pltpu.sync_copy(idx_h.at[wid], idx_v)

    def fire(g, carry):
      vec = idx_v[pl.ds(g * 16, 16)]
      for j in range(16):
        r = jnp.sum(jnp.where(lanes == j, vec, 0))
        pltpu.async_copy(
            tab.at[pl.ds(r, 1)], rows_v.at[pl.ds(g * 16 + j, 1)], sem)
      return carry

    lax.fori_loop(0, BPW // 16, fire, 0)
    pltpu.make_async_copy(tab.at[pl.ds(0, BPW)], rows_v, sem).wait()
    pltpu.sync_copy(rows_v, out.at[pl.ds(base, BPW)])


_sc_gather = functools.partial(
    pl.kernel,
    out_type=(
        jax.ShapeDtypeStruct((B, 2 * D), jnp.uint32),
        jax.ShapeDtypeStruct((B, 2 * D), jnp.uint32),
    ),
    mesh=plsc.VectorSubcoreMesh(core_axis_name="c", subcore_axis_name="s"),
    scratch_types=[
        pltpu.VMEM((BPW,), jnp.int32),
        pltpu.VMEM((BPW, 2 * D), jnp.uint32),
        pltpu.SemaphoreType.DMA,
    ],
    compiler_params=pltpu.CompilerParams(needs_layout_passes=False),
)(_sc_gather_body)


def _unpack_half(x, parity):
  even = lax.bitcast_convert_type(x << 16, jnp.float32)
  odd = lax.bitcast_convert_type(x & jnp.uint32(0xFFFF0000), jnp.float32)
  return jnp.where(parity == 0, even, odd)


def _mlp_body(ub_ref, ib_ref, up_ref, ip_ref, lg_ref, ct_ref,
              lemb_ref, cemb_ref, cwl_ref, cwc_ref, cb_ref,
              w1c_ref, b1_ref, w2t_ref, b2_ref, w3t_ref, b3_ref,
              out_ref):
  h1u = _unpack_half(ub_ref[...], up_ref[...])
  icp = _unpack_half(ib_ref[...], ip_ref[...])
  lw = lemb_ref[...] @ cwl_ref[...]
  cw2 = cemb_ref[...] @ cwc_ref[...]
  ohl = (lg_ref[...] == lax.broadcasted_iota(jnp.int32, (1, NL), 1)
         ).astype(jnp.float32)
  ohc = (ct_ref[...] == lax.broadcasted_iota(jnp.int32, (1, NCAT), 1)
         ).astype(jnp.float32)
  ic = icp[:, :D]
  ic += ohl @ lw
  ic += ohc @ cw2
  ic = jnp.maximum(ic + cb_ref[...], 0.0)
  h1 = h1u
  h1 += ic @ w1c_ref[...]
  h1 = jnp.maximum(h1 + b1_ref[...], 0.0)
  h2 = jnp.maximum(h1 @ w2t_ref[...] + b2_ref[...], 0.0)
  out_ref[...] = h2 @ w3t_ref[...] + b3_ref[...]


def _full(shape):
  return pl.BlockSpec(shape, lambda i: tuple(0 for _ in shape))


_mlp = pl.pallas_call(
    _mlp_body,
    grid=(B // TILE,),
    in_specs=[
        pl.BlockSpec((TILE, 2 * D), lambda i: (i, 0)),
        pl.BlockSpec((TILE, 2 * D), lambda i: (i, 0)),
        pl.BlockSpec((TILE, 1), lambda i: (i, 0)),
        pl.BlockSpec((TILE, 1), lambda i: (i, 0)),
        pl.BlockSpec((TILE, 1), lambda i: (i, 0)),
        pl.BlockSpec((TILE, 1), lambda i: (i, 0)),
        _full((NL, H)),
        _full((NCAT, H)),
        _full((H, D)),
        _full((H, D)),
        _full((1, D)),
        _full((D, 2 * D)),
        _full((1, 2 * D)),
        _full((2 * D, D)),
        _full((1, D)),
        _full((D, 1)),
        _full((1, 1)),
    ],
    out_specs=pl.BlockSpec((TILE, 1), lambda i: (i, 0)),
    out_shape=jax.ShapeDtypeStruct((B, 1), jnp.float32),
    compiler_params=pltpu.CompilerParams(
        dimension_semantics=("arbitrary",)),
)


def kernel(user, item, language, category, user_emb, item_emb, language_emb,
           category_emb, cw, cb, w1, b1, w2, b2, w3, b3):
  w1u = w1[:, :D].T
  cwi_pad = jnp.pad(cw[:, :D].T, ((0, 0), (0, D)))
  u_proj = _proj_u(user_emb.T, w1u)
  i_proj = _proj_i(item_emb.T, cwi_pad)
  u_rows, i_rows = _sc_gather(
      (user // 2).reshape(NW, BPW), (item // 2).reshape(NW, BPW),
      u_proj, i_proj)
  cwl = cw[:, D:D + H].T
  cwc = cw[:, D + H:].T
  w1c = w1[:, D:].T
  out = _mlp(u_rows, i_rows,
             (user % 2).reshape(B, 1), (item % 2).reshape(B, 1),
             language.reshape(B, 1), category.reshape(B, 1),
             language_emb, category_emb,
             cwl, cwc, cb.reshape(1, D),
             w1c, b1.reshape(1, 2 * D),
             w2.T, b2.reshape(1, D),
             w3.T, b3.reshape(1, 1))
  return out[:, 0]

# --- scband reference (transcript-rebuilt; emitter-appended) ---
"""Pipeline reference for scband-ncf-18279380812470 (READ-ONLY COPY).

The authoritative reference and input builder live on the scoring server;
editing this copy changes nothing except your own understanding.
"""

import jax, jax.numpy as jnp
import numpy as np

B = 16384
NU = 1000000
NI = 100000
NL = 100
NC = 1000
D = 64
H = D // 2


def setup_inputs(seed: int = 0) -> dict:
    key = jax.random.key(seed)
    ks = jax.random.split(key, 16)
    inp = {}
    inp["user"] = jax.random.randint(ks[0], (B,), 0, NU, dtype=jnp.int32)
    inp["item"] = jax.random.randint(ks[1], (B,), 0, NI, dtype=jnp.int32)
    inp["language"] = jax.random.randint(ks[2], (B,), 0, NL, dtype=jnp.int32)
    inp["category"] = jax.random.randint(ks[3], (B,), 0, NC, dtype=jnp.int32)
    inp["user_emb"] = jax.random.normal(ks[4], (NU, D), jnp.float32) * 0.02
    inp["item_emb"] = jax.random.normal(ks[5], (NI, D), jnp.float32) * 0.02
    inp["language_emb"] = jax.random.normal(ks[6], (NL, H), jnp.float32) * 0.02
    inp["category_emb"] = jax.random.normal(ks[7], (NC, H), jnp.float32) * 0.02
    # content_fc: Linear(D + 2*H -> D)
    inp["cw"] = jax.random.normal(ks[8], (D, D + 2 * H), jnp.float32) * 0.05
    inp["cb"] = jnp.zeros((D,), jnp.float32)
    # fc: Linear(2D -> 128), Linear(128 -> 64), Linear(64 -> 1)
    inp["w1"] = jax.random.normal(ks[9], (128, 2 * D), jnp.float32) * 0.05
    inp["b1"] = jnp.zeros((128,), jnp.float32)
    inp["w2"] = jax.random.normal(ks[10], (64, 128), jnp.float32) * 0.05
    inp["b2"] = jnp.zeros((64,), jnp.float32)
    inp["w3"] = jax.random.normal(ks[11], (1, 64), jnp.float32) * 0.05
    inp["b3"] = jnp.zeros((1,), jnp.float32)
    return inp


def reference(user, item, language, category, user_emb, item_emb, language_emb,
              category_emb, cw, cb, w1, b1, w2, b2, w3, b3):
    u = jnp.take(user_emb, user, axis=0)
    i = jnp.take(item_emb, item, axis=0)
    l = jnp.take(language_emb, language, axis=0)
    c = jnp.take(category_emb, category, axis=0)
    item_content = jnp.concatenate([i, l, c], axis=1)
    item_content = jax.nn.relu(item_content @ cw.T + cb)  # dropout = identity (eval)
    x = jnp.concatenate([u, item_content], axis=1)
    h = jax.nn.relu(x @ w1.T + b1)
    h = jax.nn.relu(h @ w2.T + b2)
    out = h @ w3.T + b3
    return jnp.squeeze(out)

if __name__ == "__main__":
    import jax
    _d = setup_inputs()
    print(jax.jit(kernel)(*tuple(_d.values())))

</pallas_src>

<mosaic_0001>
#map = affine_map<(d0, d1) -> (0, 0)>
module attributes {stable_mosaic.version = 14 : i64} {
  func.func @_sc_gather_body(%arg0: i32, %arg1: i32, %arg2: memref<32x512xi32, #tpu.memory_space<hbm>>, %arg3: memref<32x512xi32, #tpu.memory_space<hbm>>, %arg4: memref<500000x128xi32, #tpu.memory_space<hbm>>, %arg5: memref<50000x128xi32, #tpu.memory_space<hbm>>, %arg6: memref<16384x128xi32, #tpu.memory_space<hbm>>, %arg7: memref<16384x128xi32, #tpu.memory_space<hbm>>, %arg8: memref<512xi32, #tpu.memory_space<vmem>>, %arg9: memref<512x128xi32, #tpu.memory_space<vmem>>, %arg10: memref<!tpu.dma_semaphore, #tpu.memory_space<semaphore_mem>>) attributes {dimension_semantics = [#tpu.dimension_semantics<core_parallel>, #tpu.dimension_semantics<subcore_parallel>], iteration_bounds = array<i64: 2, 16>, scalar_prefetch = 0 : i64, scratch_operands = 3 : i64, tpu.core_type = #tpu.core_type<sc_vector_subcore>, window_params = [{transform_indices = #map}, {transform_indices = #map}, {transform_indices = #map}, {transform_indices = #map}, {transform_indices = #map}, {transform_indices = #map}]} {
    %mul3A = arith.constant 1000 : i32
    %mul3A_0 = arith.muli %arg1, %mul3A : i32
    %add3A = arith.addi %mul3A_0, %arg0 : i32
    %mul3A_1 = arith.constant 512 : i32
    %mul3A_2 = arith.muli %add3A, %mul3A_1 : i32
    %iota3A = tpu.iota {dimensions = array<i32: 0>} : vector<16xi32>
    "tpu.region"() ({
      %run_scoped3A = tpu.sem_alloc : memref<!tpu.dma_semaphore, #tpu.memory_space<semaphore_mem>>
      %dma_start3A = arith.constant 0 : i32
      %dma_start3A_25 = tpu.memref_slice %arg2[%add3A, %dma_start3A] : memref<32x512xi32, #tpu.memory_space<hbm>> -> memref<1x512xi32, #tpu.memory_space<hbm>>
      %dma_start3A_26 = tpu.memref_squeeze %dma_start3A_25 : memref<1x512xi32, #tpu.memory_space<hbm>> -> memref<512xi32, #tpu.memory_space<hbm>>
      %dma_start3A_27 = arith.constant 0 : i32
      %dma_start3A_28 = tpu.memref_slice %arg2[%add3A, %dma_start3A_27] : memref<32x512xi32, #tpu.memory_space<hbm>> -> memref<1x512xi32, #tpu.memory_space<hbm>>
      %dma_start3A_29 = tpu.memref_squeeze %dma_start3A_28 : memref<1x512xi32, #tpu.memory_space<hbm>> -> memref<512xi32, #tpu.memory_space<hbm>>
      tpu.enqueue_dma source(%dma_start3A_29 : memref<512xi32, #tpu.memory_space<hbm>>) target(%arg8 : memref<512xi32, #tpu.memory_space<vmem>>) target_semaphore(%run_scoped3A : memref<!tpu.dma_semaphore, #tpu.memory_space<semaphore_mem>>)
      %dma_wait3A_30 = arith.constant 0 : i32
      %dma_wait3A_31 = tpu.memref_slice %arg2[%add3A, %dma_wait3A_30] : memref<32x512xi32, #tpu.memory_space<hbm>> -> memref<1x512xi32, #tpu.memory_space<hbm>>
      %dma_wait3A_32 = tpu.memref_squeeze %dma_wait3A_31 : memref<1x512xi32, #tpu.memory_space<hbm>> -> memref<512xi32, #tpu.memory_space<hbm>>
      %dma_wait3A_33 = arith.constant 0 : i32
      %dma_wait3A_34 = tpu.memref_slice %arg2[%add3A, %dma_wait3A_33] : memref<32x512xi32, #tpu.memory_space<hbm>> -> memref<1x512xi32, #tpu.memory_space<hbm>>
      %dma_wait3A_35 = tpu.memref_squeeze %dma_wait3A_34 : memref<1x512xi32, #tpu.memory_space<hbm>> -> memref<512xi32, #tpu.memory_space<hbm>>
      tpu.wait_dma2 semaphore(%run_scoped3A : memref<!tpu.dma_semaphore, #tpu.memory_space<semaphore_mem>>) src(%dma_wait3A_35 : memref<512xi32, #tpu.memory_space<hbm>>) dst(%arg8 : memref<512xi32, #tpu.memory_space<vmem>>)
      tpu.yield
    }) : () -> ()
    %scan3A = arith.constant 0 : i32
    %scan3A_3 = arith.constant 0 : i32
    %scan3A_4 = arith.constant 32 : i32
    %scan3A_5 = arith.addi %scan3A_3, %scan3A_4 : i32
    %scan3A_6 = arith.constant 1 : i32
    scf.for %scan3A_25 = %scan3A_3 to %scan3A_5 step %scan3A_6  : i32 {
      %mul3A_26 = arith.constant 16 : i32
      %mul3A_27 = arith.muli %scan3A_25, %mul3A_26 : i32
      %get3A = arith.index_cast %mul3A_27 : i32 to index
      %get3A_28 = tpu.vector_load %arg8[%get3A] {strides = array<i32>} : memref<512xi32, #tpu.memory_space<vmem>>, vector<16xi32>,
      %eq3A = arith.constant 0 : i32
      %eq3A_29 = vector.broadcast %eq3A : i32 to vector<16xi32>
      %eq3A_30 = arith.cmpi eq, %iota3A, %eq3A_29 : vector<16xi32>
      %jit3A = arith.constant 0 : i32
      %broadcast_in_dim3A = vector.broadcast %jit3A : i32 to vector<16xi32>
      %select_n3A = arith.select %eq3A_30, %get3A_28, %broadcast_in_dim3A : vector<16xi1>, vector<16xi32>
      %reduce_sum3A = arith.constant true
      %reduce_sum3A_31 = vector.broadcast %reduce_sum3A : i1 to vector<16xi1>
      %reduce_sum3A_32 = tpu.scan <sum>, %select_n3A masked %reduce_sum3A_31 : vector<16xi32>, vector<16xi1> -> vector<16xi32>
      %reduce_sum3A_33 = vector.extract %reduce_sum3A_32[15] : i32 from vector<16xi32>
      %mul3A_34 = arith.constant 16 : i32
      %mul3A_35 = arith.muli %scan3A_25, %mul3A_34 : i32
      %add3A_36 = arith.constant 0 : i32
      %add3A_37 = arith.addi %mul3A_35, %add3A_36 : i32
      %dma_start3A = arith.constant 0 : i32
      %dma_start3A_38 = tpu.memref_slice %arg9[%add3A_37, %dma_start3A] : memref<512x128xi32, #tpu.memory_space<vmem>> -> memref<1x128xi32, #tpu.memory_space<vmem>>
      %dma_start3A_39 = arith.constant 0 : i32
      %dma_start3A_40 = tpu.memref_slice %arg4[%reduce_sum3A_33, %dma_start3A_39] : memref<500000x128xi32, #tpu.memory_space<hbm>> -> memref<1x128xi32, #tpu.memory_space<hbm>>
      %dma_start3A_41 = arith.constant 0 : i32
      %dma_start3A_42 = tpu.memref_slice %arg9[%add3A_37, %dma_start3A_41] : memref<512x128xi32, #tpu.memory_space<vmem>> -> memref<1x128xi32, #tpu.memory_space<vmem>>
      %dma_start3A_43 = arith.constant 0 : i32
      %dma_start3A_44 = tpu.memref_slice %arg4[%reduce_sum3A_33, %dma_start3A_43] : memref<500000x128xi32, #tpu.memory_space<hbm>> -> memref<1x128xi32, #tpu.memory_space<hbm>>
      tpu.enqueue_dma source(%dma_start3A_44 : memref<1x128xi32, #tpu.memory_space<hbm>>) target(%dma_start3A_42 : memref<1x128xi32, #tpu.memory_space<vmem>>) target_semaphore(%arg10 : memref<!tpu.dma_semaphore, #tpu.memory_space<semaphore_mem>>)
      %eq3A_45 = arith.constant 1 : i32
      %eq3A_46 = vector.broadcast %eq3A_45 : i32 to vector<16xi32>
      %eq3A_47 = arith.cmpi eq, %iota3A, %eq3A_46 : vector<16xi32>
      %jit3A_48 = arith.constant 0 : i32
      %broadcast_in_dim3A_49 = vector.broadcast %jit3A_48 : i32 to vector<16xi32>
      %select_n3A_50 = arith.select %eq3A_47, %get3A_28, %broadcast_in_dim3A_49 : vector<16xi1>, vector<16xi32>
      %reduce_sum3A_51 = arith.constant true
      %reduce_sum3A_52 = vector.broadcast %reduce_sum3A_51 : i1 to vector<16xi1>
      %reduce_sum3A_53 = tpu.scan <sum>, %select_n3A_50 masked %reduce_sum3A_52 : vector<16xi32>, vector<16xi1> -> vector<16xi32>
      %reduce_sum3A_54 = vector.extract %reduce_sum3A_53[15] : i32 from vector<16xi32>
      %mul3A_55 = arith.constant 16 : i32
      %mul3A_56 = arith.muli %scan3A_25, %mul3A_55 : i32
      %add3A_57 = arith.constant 1 : i32
      %add3A_58 = arith.addi %mul3A_56, %add3A_57 : i32
      %dma_start3A_59 = arith.constant 0 : i32
      %dma_start3A_60 = tpu.memref_slice %arg9[%add3A_58, %dma_start3A_59] : memref<512x128xi32, #tpu.memory_space<vmem>> -> memref<1x128xi32, #tpu.memory_space<vmem>>
      %dma_start3A_61 = arith.constant 0 : i32
      %dma_start3A_62 = tpu.memref_slice %arg4[%reduce_sum3A_54, %dma_start3A_61] : memref<500000x128xi32, #tpu.memory_space<hbm>> -> memref<1x128xi32, #tpu.memory_space<hbm>>
      %dma_start3A_63 = arith.constant 0 : i32
      %dma_start3A_64 = tpu.memref_slice %arg9[%add3A_58, %dma_start3A_63] : memref<512x128xi32, #tpu.memory_space<vmem>> -> memref<1x128xi32, #tpu.memory_space<vmem>>
      %dma_start3A_65 = arith.constant 0 : i32
      %dma_start3A_66 = tpu.memref_slice %arg4[%reduce_sum3A_54, %dma_start3A_65] : memref<500000x128xi32, #tpu.memory_space<hbm>> -> memref<1x128xi32, #tpu.memory_space<hbm>>
      tpu.enqueue_dma source(%dma_start3A_66 : memref<1x128xi32, #tpu.memory_space<hbm>>) target(%dma_start3A_64 : memref<1x128xi32, #tpu.memory_space<vmem>>) target_semaphore(%arg10 : memref<!tpu.dma_semaphore, #tpu.memory_space<semaphore_mem>>)
      %eq3A_67 = arith.constant 2 : i32
      %eq3A_68 = vector.broadcast %eq3A_67 : i32 to vector<16xi32>
      %eq3A_69 = arith.cmpi eq, %iota3A, %eq3A_68 : vector<16xi32>
      %jit3A_70 = arith.constant 0 : i32
      %broadcast_in_dim3A_71 = vector.broadcast %jit3A_70 : i32 to vector<16xi32>
      %select_n3A_72 = arith.select %eq3A_69, %get3A_28, %broadcast_in_dim3A_71 : vector<16xi1>, vector<16xi32>
      %reduce_sum3A_73 = arith.constant true
      %reduce_sum3A_74 = vector.broadcast %reduce_sum3A_73 : i1 to vector<16xi1>
      %reduce_sum3A_75 = tpu.scan <sum>, %select_n3A_72 masked %reduce_sum3A_74 : vector<16xi32>, vector<16xi1> -> vector<16xi32>
      %reduce_sum3A_76 = vector.extract %reduce_sum3A_75[15] : i32 from vector<16xi32>
      %mul3A_77 = arith.constant 16 : i32
      %mul3A_78 = arith.muli %scan3A_25, %mul3A_77 : i32
      %add3A_79 = arith.constant 2 : i32
      %add3A_80 = arith.addi %mul3A_78, %add3A_79 : i32
      %dma_start3A_81 = arith.constant 0 : i32
      %dma_start3A_82 = tpu.memref_slice %arg9[%add3A_80, %dma_start3A_81] : memref<512x128xi32, #tpu.memory_space<vmem>> -> memref<1x128xi32, #tpu.memory_space<vmem>>
      %dma_start3A_83 = arith.constant 0 : i32
      %dma_start3A_84 = tpu.memref_slice %arg4[%reduce_sum3A_76, %dma_start3A_83] : memref<500000x128xi32, #tpu.memory_space<hbm>> -> memref<1x128xi32, #tpu.memory_space<hbm>>
      %dma_start3A_85 = arith.constant 0 : i32
      %dma_start3A_86 = tpu.memref_slice %arg9[%add3A_80, %dma_start3A_85] : memref<512x128xi32, #tpu.memory_space<vmem>> -> memref<1x128xi32, #tpu.memory_space<vmem>>
      %dma_start3A_87 = arith.constant 0 : i32
      %dma_start3A_88 = tpu.memref_slice %arg4[%reduce_sum3A_76, %dma_start3A_87] : memref<500000x128xi32, #tpu.memory_space<hbm>> -> memref<1x128xi32, #tpu.memory_space<hbm>>
      tpu.enqueue_dma source(%dma_start3A_88 : memref<1x128xi32, #tpu.memory_space<hbm>>) target(%dma_start3A_86 : memref<1x128xi32, #tpu.memory_space<vmem>>) target_semaphore(%arg10 : memref<!tpu.dma_semaphore, #tpu.memory_space<semaphore_mem>>)
      %eq3A_89 = arith.constant 3 : i32
      %eq3A_90 = vector.broadcast %eq3A_89 : i32 to vector<16xi32>
      %eq3A_91 = arith.cmpi eq, %iota3A, %eq3A_90 : vector<16xi32>
      %jit3A_92 = arith.constant 0 : i32
      %broadcast_in_dim3A_93 = vector.broadcast %jit3A_92 : i32 to vector<16xi32>
      %select_n3A_94 = arith.select %eq3A_91, %get3A_28, %broadcast_in_dim3A_93 : vector<16xi1>, vector<16xi32>
      %reduce_sum3A_95 = arith.constant true
      %reduce_sum3A_96 = vector.broadcast %reduce_sum3A_95 : i1 to vector<16xi1>
      %reduce_sum3A_97 = tpu.scan <sum>, %select_n3A_94 masked %reduce_sum3A_96 : vector<16xi32>, vector<16xi1> -> vector<16xi32>
      %reduce_sum3A_98 = vector.extract %reduce_sum3A_97[15] : i32 from vector<16xi32>
      %mul3A_99 = arith.constant 16 : i32
      %mul3A_100 = arith.muli %scan3A_25, %mul3A_99 : i32
      %add3A_101 = arith.constant 3 : i32
      %add3A_102 = arith.addi %mul3A_100, %add3A_101 : i32
      %dma_start3A_103 = arith.constant 0 : i32
      %dma_start3A_104 = tpu.memref_slice %arg9[%add3A_102, %dma_start3A_103] : memref<512x128xi32, #tpu.memory_space<vmem>> -> memref<1x128xi32, #tpu.memory_space<vmem>>
      %dma_start3A_105 = arith.constant 0 : i32
      %dma_start3A_106 = tpu.memref_slice %arg4[%reduce_sum3A_98, %dma_start3A_105] : memref<500000x128xi32, #tpu.memory_space<hbm>> -> memref<1x128xi32, #tpu.memory_space<hbm>>
      %dma_start3A_107 = arith.constant 0 : i32
      %dma_start3A_108 = tpu.memref_slice %arg9[%add3A_102, %dma_start3A_107] : memref<512x128xi32, #tpu.memory_space<vmem>> -> memref<1x128xi32, #tpu.memory_space<vmem>>
      %dma_start3A_109 = arith.constant 0 : i32
      %dma_start3A_110 = tpu.memref_slice %arg4[%reduce_sum3A_98, %dma_start3A_109] : memref<500000x128xi32, #tpu.memory_space<hbm>> -> memref<1x128xi32, #tpu.memory_space<hbm>>
      tpu.enqueue_dma source(%dma_start3A_110 : memref<1x128xi32, #tpu.memory_space<hbm>>) target(%dma_start3A_108 : memref<1x128xi32, #tpu.memory_space<vmem>>) target_semaphore(%arg10 : memref<!tpu.dma_semaphore, #tpu.memory_space<semaphore_mem>>)
      %eq3A_111 = arith.constant 4 : i32
      %eq3A_112 = vector.broadcast %eq3A_111 : i32 to vector<16xi32>
      %eq3A_113 = arith.cmpi eq, %iota3A, %eq3A_112 : vector<16xi32>
      %jit3A_114 = arith.constant 0 : i32
      %broadcast_in_dim3A_115 = vector.broadcast %jit3A_114 : i32 to vector<16xi32>
      %select_n3A_116 = arith.select %eq3A_113, %get3A_28, %broadcast_in_dim3A_115 : vector<16xi1>, vector<16xi32>
      %reduce_sum3A_117 = arith.constant true
      %reduce_sum3A_118 = vector.broadcast %reduce_sum3A_117 : i1 to vector<16xi1>
      %reduce_sum3A_119 = tpu.scan <sum>, %select_n3A_116 masked %reduce_sum3A_118 : vector<16xi32>, vector<16xi1> -> vector<16xi32>
      %reduce_sum3A_120 = vector.extract %reduce_sum3A_119[15] : i32 from vector<16xi32>
      %mul3A_121 = arith.constant 16 : i32
      %mul3A_122 = arith.muli %scan3A_25, %mul3A_121 : i32
      %add3A_123 = arith.constant 4 : i32
      %add3A_124 = arith.addi %mul3A_122, %add3A_123 : i32
      %dma_start3A_125 = arith.constant 0 : i32
      %dma_start3A_126 = tpu.memref_slice %arg9[%add3A_124, %dma_start3A_125] : memref<512x128xi32, #tpu.memory_space<vmem>> -> memref<1x128xi32, #tpu.memory_space<vmem>>
      %dma_start3A_127 = arith.constant 0 : i32
      %dma_start3A_128 = tpu.memref_slice %arg4[%reduce_sum3A_120, %dma_start3A_127] : memref<500000x128xi32, #tpu.memory_space<hbm>> -> memref<1x128xi32, #tpu.memory_space<hbm>>
      %dma_start3A_129 = arith.constant 0 : i32
      %dma_start3A_130 = tpu.memref_slice %arg9[%add3A_124, %dma_start3A_129] : memref<512x128xi32, #tpu.memory_space<vmem>> -> memref<1x128xi32, #tpu.memory_space<vmem>>
      %dma_start3A_131 = arith.constant 0 : i32
      %dma_start3A_132 = tpu.memref_slice %arg4[%reduce_sum3A_120, %dma_start3A_131] : memref<500000x128xi32, #tpu.memory_space<hbm>> -> memref<1x128xi32, #tpu.memory_space<hbm>>
      tpu.enqueue_dma source(%dma_start3A_132 : memref<1x128xi32, #tpu.memory_space<hbm>>) target(%dma_start3A_130 : memref<1x128xi32, #tpu.memory_space<vmem>>) target_semaphore(%arg10 : memref<!tpu.dma_semaphore, #tpu.memory_space<semaphore_mem>>)
      %eq3A_133 = arith.constant 5 : i32
      %eq3A_134 = vector.broadcast %eq3A_133 : i32 to vector<16xi32>
      %eq3A_135 = arith.cmpi eq, %iota3A, %eq3A_134 : vector<16xi32>
      %jit3A_136 = arith.constant 0 : i32
      %broadcast_in_dim3A_137 = vector.broadcast %jit3A_136 : i32 to vector<16xi32>
      %select_n3A_138 = arith.select %eq3A_135, %get3A_28, %broadcast_in_dim3A_137 : vector<16xi1>, vector<16xi32>
      %reduce_sum3A_139 = arith.constant true
      %reduce_sum3A_140 = vector.broadcast %reduce_sum3A_139 : i1 to vector<16xi1>
      %reduce_sum3A_141 = tpu.scan <sum>, %select_n3A_138 masked %reduce_sum3A_140 : vector<16xi32>, vector<16xi1> -> vector<16xi32>
      %reduce_sum3A_142 = vector.extract %reduce_sum3A_141[15] : i32 from vector<16xi32>
      %mul3A_143 = arith.constant 16 : i32
      %mul3A_144 = arith.muli %scan3A_25, %mul3A_143 : i32
      %add3A_145 = arith.constant 5 : i32
      %add3A_146 = arith.addi %mul3A_144, %add3A_145 : i32
      %dma_start3A_147 = arith.constant 0 : i32
      %dma_start3A_148 = tpu.memref_slice %arg9[%add3A_146, %dma_start3A_147] : memref<512x128xi32, #tpu.memory_space<vmem>> -> memref<1x128xi32, #tpu.memory_space<vmem>>
      %dma_start3A_149 = arith.constant 0 : i32
      %dma_start3A_150 = tpu.memref_slice %arg4[%reduce_sum3A_142, %dma_start3A_149] : memref<500000x128xi32, #tpu.memory_space<hbm>> -> memref<1x128xi32, #tpu.memory_space<hbm>>
      %dma_start3A_151 = arith.constant 0 : i32
      %dma_start3A_152 = tpu.memref_slice %arg9[%add3A_146, %dma_start3A_151] : memref<512x128xi32, #tpu.memory_space<vmem>> -> memref<1x128xi32, #tpu.memory_space<vmem>>
      %dma_start3A_153 = arith.constant 0 : i32
      %dma_start3A_154 = tpu.memref_slice %arg4[%reduce_sum3A_142, %dma_start3A_153] : memref<500000x128xi32, #tpu.memory_space<hbm>> -> memref<1x128xi32, #tpu.memory_space<hbm>>
      tpu.enqueue_dma source(%dma_start3A_154 : memref<1x128xi32, #tpu.memory_space<hbm>>) target(%dma_start3A_152 : memref<1x128xi32, #tpu.memory_space<vmem>>) target_semaphore(%arg10 : memref<!tpu.dma_semaphore, #tpu.memory_space<semaphore_mem>>)
      %eq3A_155 = arith.constant 6 : i32
      %eq3A_156 = vector.broadcast %eq3A_155 : i32 to vector<16xi32>
      %eq3A_157 = arith.cmpi eq, %iota3A, %eq3A_156 : vector<16xi32>
      %jit3A_158 = arith.constant 0 : i32
      %broadcast_in_dim3A_159 = vector.broadcast %jit3A_158 : i32 to vector<16xi32>
      %select_n3A_160 = arith.select %eq3A_157, %get3A_28, %broadcast_in_dim3A_159 : vector<16xi1>, vector<16xi32>
      %reduce_sum3A_161 = arith.constant true
      %reduce_sum3A_162 = vector.broadcast %reduce_sum3A_161 : i1 to vector<16xi1>
      %reduce_sum3A_163 = tpu.scan <sum>, %select_n3A_160 masked %reduce_sum3A_162 : vector<16xi32>, vector<16xi1> -> vector<16xi32>
      %reduce_sum3A_164 = vector.extract %reduce_sum3A_163[15] : i32 from vector<16xi32>
      %mul3A_165 = arith.constant 16 : i32
      %mul3A_166 = arith.muli %scan3A_25, %mul3A_165 : i32
      %add3A_167 = arith.constant 6 : i32
      %add3A_168 = arith.addi %mul3A_166, %add3A_167 : i32
      %dma_start3A_169 = arith.constant 0 : i32
      %dma_start3A_170 = tpu.memref_slice %arg9[%add3A_168, %dma_start3A_169] : memref<512x128xi32, #tpu.memory_space<vmem>> -> memref<1x128xi32, #tpu.memory_space<vmem>>
      %dma_start3A_171 = arith.constant 0 : i32
      %dma_start3A_172 = tpu.memref_slice %arg4[%reduce_sum3A_164, %dma_start3A_171] : memref<500000x128xi32, #tpu.memory_space<hbm>> -> memref<1x128xi32, #tpu.memory_space<hbm>>
      %dma_start3A_173 = arith.constant 0 : i32
      %dma_start3A_174 = tpu.memref_slice %arg9[%add3A_168, %dma_start3A_173] : memref<512x128xi32, #tpu.memory_space<vmem>> -> memref<1x128xi32, #tpu.memory_space<vmem>>
      %dma_start3A_175 = arith.constant 0 : i32
      %dma_start3A_176 = tpu.memref_slice %arg4[%reduce_sum3A_164, %dma_start3A_175] : memref<500000x128xi32, #tpu.memory_space<hbm>> -> memref<1x128xi32, #tpu.memory_space<hbm>>
      tpu.enqueue_dma source(%dma_start3A_176 : memref<1x128xi32, #tpu.memory_space<hbm>>) target(%dma_start3A_174 : memref<1x128xi32, #tpu.memory_space<vmem>>) target_semaphore(%arg10 : memref<!tpu.dma_semaphore, #tpu.memory_space<semaphore_mem>>)
      %eq3A_177 = arith.constant 7 : i32
      %eq3A_178 = vector.broadcast %eq3A_177 : i32 to vector<16xi32>
      %eq3A_179 = arith.cmpi eq, %iota3A, %eq3A_178 : vector<16xi32>
      %jit3A_180 = arith.constant 0 : i32
      %broadcast_in_dim3A_181 = vector.broadcast %jit3A_180 : i32 to vector<16xi32>
      %select_n3A_182 = arith.select %eq3A_179, %get3A_28, %broadcast_in_dim3A_181 : vector<16xi1>, vector<16xi32>
      %reduce_sum3A_183 = arith.constant true
      %reduce_sum3A_184 = vector.broadcast %reduce_sum3A_183 : i1 to vector<16xi1>
      %reduce_sum3A_185 = tpu.scan <sum>, %select_n3A_182 masked %reduce_sum3A_184 : vector<16xi32>, vector<16xi1> -> vector<16xi32>
      %reduce_sum3A_186 = vector.extract %reduce_sum3A_185[15] : i32 from vector<16xi32>
      %mul3A_187 = arith.constant 16 : i32
      %mul3A_188 = arith.muli %scan3A_25, %mul3A_187 : i32
      %add3A_189 = arith.constant 7 : i32
      %add3A_190 = arith.addi %mul3A_188, %add3A_189 : i32
      %dma_start3A_191 = arith.constant 0 : i32
      %dma_start3A_192 = tpu.memref_slice %arg9[%add3A_190, %dma_start3A_191] : memref<512x128xi32, #tpu.memory_space<vmem>> -> memref<1x128xi32, #tpu.memory_space<vmem>>
      %dma_start3A_193 = arith.constant 0 : i32
      %dma_start3A_194 = tpu.memref_slice %arg4[%reduce_sum3A_186, %dma_start3A_193] : memref<500000x128xi32, #tpu.memory_space<hbm>> -> memref<1x128xi32, #tpu.memory_space<hbm>>
      %dma_start3A_195 = arith.constant 0 : i32
      %dma_start3A_196 = tpu.memref_slice %arg9[%add3A_190, %dma_start3A_195] : memref<512x128xi32, #tpu.memory_space<vmem>> -> memref<1x128xi32, #tpu.memory_space<vmem>>
      %dma_start3A_197 = arith.constant 0 : i32
      %dma_start3A_198 = tpu.memref_slice %arg4[%reduce_sum3A_186, %dma_start3A_197] : memref<500000x128xi32, #tpu.memory_space<hbm>> -> memref<1x128xi32, #tpu.memory_space<hbm>>
      tpu.enqueue_dma source(%dma_start3A_198 : memref<1x128xi32, #tpu.memory_space<hbm>>) target(%dma_start3A_196 : memref<1x128xi32, #tpu.memory_space<vmem>>) target_semaphore(%arg10 : memref<!tpu.dma_semaphore, #tpu.memory_space<semaphore_mem>>)
      %eq3A_199 = arith.constant 8 : i32
      %eq3A_200 = vector.broadcast %eq3A_199 : i32 to vector<16xi32>
      %eq3A_201 = arith.cmpi eq, %iota3A, %eq3A_200 : vector<16xi32>
      %jit3A_202 = arith.constant 0 : i32
      %broadcast_in_dim3A_203 = vector.broadcast %jit3A_202 : i32 to vector<16xi32>
      %select_n3A_204 = arith.select %eq3A_201, %get3A_28, %broadcast_in_dim3A_203 : vector<16xi1>, vector<16xi32>
      %reduce_sum3A_205 = arith.constant true
      %reduce_sum3A_206 = vector.broadcast %reduce_sum3A_205 : i1 to vector<16xi1>
      %reduce_sum3A_207 = tpu.scan <sum>, %select_n3A_204 masked %reduce_sum3A_206 : vector<16xi32>, vector<16xi1> -> vector<16xi32>
      %reduce_sum3A_208 = vector.extract %reduce_sum3A_207[15] : i32 from vector<16xi32>
      %mul3A_209 = arith.constant 16 : i32
      %mul3A_210 = arith.muli %scan3A_25, %mul3A_209 : i32
      %add3A_211 = arith.constant 8 : i32
      %add3A_212 = arith.addi %mul3A_210, %add3A_211 : i32
      %dma_start3A_213 = arith.constant 0 : i32
      %dma_start3A_214 = tpu.memref_slice %arg9[%add3A_212, %dma_start3A_213] : memref<512x128xi32, #tpu.memory_space<vmem>> -> memref<1x128xi32, #tpu.memory_space<vmem>>
      %dma_start3A_215 = arith.constant 0 : i32
      %dma_start3A_216 = tpu.memref_slice %arg4[%reduce_sum3A_208, %dma_start3A_215] : memref<500000x128xi32, #tpu.memory_space<hbm>> -> memref<1x128xi32, #tpu.memory_space<hbm>>
      %dma_start3A_217 = arith.constant 0 : i32
      %dma_start3A_218 = tpu.memref_slice %arg9[%add3A_212, %dma_start3A_217] : memref<512x128xi32, #tpu.memory_space<vmem>> -> memref<1x128xi32, #tpu.memory_space<vmem>>
      %dma_start3A_219 = arith.constant 0 : i32
      %dma_start3A_220 = tpu.memref_slice %arg4[%reduce_sum3A_208, %dma_start3A_219] : memref<500000x128xi32, #tpu.memory_space<hbm>> -> memref<1x128xi32, #tpu.memory_space<hbm>>
      tpu.enqueue_dma source(%dma_start3A_220 : memref<1x128xi32, #tpu.memory_space<hbm>>) target(%dma_start3A_218 : memref<1x128xi32, #tpu.memory_space<vmem>>) target_semaphore(%arg10 : memref<!tpu.dma_semaphore, #tpu.memory_space<semaphore_mem>>)
      %eq3A_221 = arith.constant 9 : i32
      %eq3A_222 = vector.broadcast %eq3A_221 : i32 to vector<16xi32>
      %eq3A_223 = arith.cmpi eq, %iota3A, %eq3A_222 : vector<16xi32>
      %jit3A_224 = arith.constant 0 : i32
      %broadcast_in_dim3A_225 = vector.broadcast %jit3A_224 : i32 to vector<16xi32>
      %select_n3A_226 = arith.select %eq3A_223, %get3A_28, %broadcast_in_dim3A_225 : vector<16xi1>, vector<16xi32>
      %reduce_sum3A_227 = arith.constant true
      %reduce_sum3A_228 = vector.broadcast %reduce_sum3A_227 : i1 to vector<16xi1>
      %reduce_sum3A_229 = tpu.scan <sum>, %select_n3A_226 masked %reduce_sum3A_228 : vector<16xi32>, vector<16xi1> -> vector<16xi32>
      %reduce_sum3A_230 = vector.extract %reduce_sum3A_229[15] : i32 from vector<16xi32>
      %mul3A_231 = arith.constant 16 : i32
      %mul3A_232 = arith.muli %scan3A_25, %mul3A_231 : i32
      %add3A_233 = arith.constant 9 : i32
      %add3A_234 = arith.addi %mul3A_232, %add3A_233 : i32
      %dma_start3A_235 = arith.constant 0 : i32
      %dma_start3A_236 = tpu.memref_slice %arg9[%add3A_234, %dma_start3A_235] : memref<512x128xi32, #tpu.memory_space<vmem>> -> memref<1x128xi32, #tpu.memory_space<vmem>>
      %dma_start3A_237 = arith.constant 0 : i32
      %dma_start3A_238 = tpu.memref_slice %arg4[%reduce_sum3A_230, %dma_start3A_237] : memref<500000x128xi32, #tpu.memory_space<hbm>> -> memref<1x128xi32, #tpu.memory_space<hbm>>
      %dma_start3A_239 = arith.constant 0 : i32
      %dma_start3A_240 = tpu.memref_slice %arg9[%add3A_234, %dma_start3A_239] : memref<512x128xi32, #tpu.memory_space<vmem>> -> memref<1x128xi32, #tpu.memory_space<vmem>>
      %dma_start3A_241 = arith.constant 0 : i32
      %dma_start3A_242 = tpu.memref_slice %arg4[%reduce_sum3A_230, %dma_start3A_241] : memref<500000x128xi32, #tpu.memory_space<hbm>> -> memref<1x128xi32, #tpu.memory_space<hbm>>
      tpu.enqueue_dma source(%dma_start3A_242 : memref<1x128xi32, #tpu.memory_space<hbm>>) target(%dma_start3A_240 : memref<1x128xi32, #tpu.memory_space<vmem>>) target_semaphore(%arg10 : memref<!tpu.dma_semaphore, #tpu.memory_space<semaphore_mem>>)
      %eq3A_243 = arith.constant 10 : i32
      %eq3A_244 = vector.broadcast %eq3A_243 : i32 to vector<16xi32>
      %eq3A_245 = arith.cmpi eq, %iota3A, %eq3A_244 : vector<16xi32>
      %jit3A_246 = arith.constant 0 : i32
      %broadcast_in_dim3A_247 = vector.broadcast %jit3A_246 : i32 to vector<16xi32>
      %select_n3A_248 = arith.select %eq3A_245, %get3A_28, %broadcast_in_dim3A_247 : vector<16xi1>, vector<16xi32>
      %reduce_sum3A_249 = arith.constant true
      %reduce_sum3A_250 = vector.broadcast %reduce_sum3A_249 : i1 to vector<16xi1>
      %reduce_sum3A_251 = tpu.scan <sum>, %select_n3A_248 masked %reduce_sum3A_250 : vector<16xi32>, vector<16xi1> -> vector<16xi32>
      %reduce_sum3A_252 = vector.extract %reduce_sum3A_251[15] : i32 from vector<16xi32>
      %mul3A_253 = arith.constant 16 : i32
      %mul3A_254 = arith.muli %scan3A_25, %mul3A_253 : i32
      %add3A_255 = arith.constant 10 : i32
      %add3A_256 = arith.addi %mul3A_254, %add3A_255 : i32
      %dma_start3A_257 = arith.constant 0 : i32
      %dma_start3A_258 = tpu.memref_slice %arg9[%add3A_256, %dma_start3A_257] : memref<512x128xi32, #tpu.memory_space<vmem>> -> memref<1x128xi32, #tpu.memory_space<vmem>>
      %dma_start3A_259 = arith.constant 0 : i32
      %dma_start3A_260 = tpu.memref_slice %arg4[%reduce_sum3A_252, %dma_start3A_259] : memref<500000x128xi32, #tpu.memory_space<hbm>> -> memref<1x128xi32, #tpu.memory_space<hbm>>
      %dma_start3A_261 = arith.constant 0 : i32
      %dma_start3A_262 = tpu.memref_slice %arg9[%add3A_256, %dma_start3A_261] : memref<512x128xi32, #tpu.memory_space<vmem>> -> memref<1x128xi32, #tpu.memory_space<vmem>>
      %dma_start3A_263 = arith.constant 0 : i32
      %dma_start3A_264 = tpu.memref_slice %arg4[%reduce_sum3A_252, %dma_start3A_263] : memref<500000x128xi32, #tpu.memory_space<hbm>> -> memref<1x128xi32, #tpu.memory_space<hbm>>
      tpu.enqueue_dma source(%dma_start3A_264 : memref<1x128xi32, #tpu.memory_space<hbm>>) target(%dma_start3A_262 : memref<1x128xi32, #tpu.memory_space<vmem>>) target_semaphore(%arg10 : memref<!tpu.dma_semaphore, #tpu.memory_space<semaphore_mem>>)
      %eq3A_265 = arith.constant 11 : i32
      %eq3A_266 = vector.broadcast %eq3A_265 : i32 to vector<16xi32>
      %eq3A_267 = arith.cmpi eq, %iota3A, %eq3A_266 : vector<16xi32>
      %jit3A_268 = arith.constant 0 : i32
      %broadcast_in_dim3A_269 = vector.broadcast %jit3A_268 : i32 to vector<16xi32>
      %select_n3A_270 = arith.select %eq3A_267, %get3A_28, %broadcast_in_dim3A_269 : vector<16xi1>, vector<16xi32>
      %reduce_sum3A_271 = arith.constant true
      %reduce_sum3A_272 = vector.broadcast %reduce_sum3A_271 : i1 to vector<16xi1>
      %reduce_sum3A_273 = tpu.scan <sum>, %select_n3A_270 masked %reduce_sum3A_272 : vector<16xi32>, vector<16xi1> -> vector<16xi32>
      %reduce_sum3A_274 = vector.extract %reduce_sum3A_273[15] : i32 from vector<16xi32>
      %mul3A_275 = arith.constant 16 : i32
      %mul3A_276 = arith.muli %scan3A_25, %mul3A_275 : i32
      %add3A_277 = arith.constant 11 : i32
      %add3A_278 = arith.addi %mul3A_276, %add3A_277 : i32
      %dma_start3A_279 = arith.constant 0 : i32
      %dma_start3A_280 = tpu.memref_slice %arg9[%add3A_278, %dma_start3A_279] : memref<512x128xi32, #tpu.memory_space<vmem>> -> memref<1x128xi32, #tpu.memory_space<vmem>>
      %dma_start3A_281 = arith.constant 0 : i32
      %dma_start3A_282 = tpu.memref_slice %arg4[%reduce_sum3A_274, %dma_start3A_281] : memref<500000x128xi32, #tpu.memory_space<hbm>> -> memref<1x128xi32, #tpu.memory_space<hbm>>
      %dma_start3A_283 = arith.constant 0 : i32
      %dma_start3A_284 = tpu.memref_slice %arg9[%add3A_278, %dma_start3A_283] : memref<512x128xi32, #tpu.memory_space<vmem>> -> memref<1x128xi32, #tpu.memory_space<vmem>>
      %dma_start3A_285 = arith.constant 0 : i32
      %dma_start3A_286 = tpu.memref_slice %arg4[%reduce_sum3A_274, %dma_start3A_285] : memref<500000x128xi32, #tpu.memory_space<hbm>> -> memref<1x128xi32, #tpu.memory_space<hbm>>
      tpu.enqueue_dma source(%dma_start3A_286 : memref<1x128xi32, #tpu.memory_space<hbm>>) target(%dma_start3A_284 : memref<1x128xi32, #tpu.memory_space<vmem>>) target_semaphore(%arg10 : memref<!tpu.dma_semaphore, #tpu.memory_space<semaphore_mem>>)
      %eq3A_287 = arith.constant 12 : i32
      %eq3A_288 = vector.broadcast %eq3A_287 : i32 to vector<16xi32>
      %eq3A_289 = arith.cmpi eq, %iota3A, %eq3A_288 : vector<16xi32>
      %jit3A_290 = arith.constant 0 : i32
      %broadcast_in_dim3A_291 = vector.broadcast %jit3A_290 : i32 to vector<16xi32>
      %select_n3A_292 = arith.select %eq3A_289, %get3A_28, %broadcast_in_dim3A_291 : vector<16xi1>, vector<16xi32>
      %reduce_sum3A_293 = arith.constant true
      %reduce_sum3A_294 = vector.broadcast %reduce_sum3A_293 : i1 to vector<16xi1>
      %reduce_sum3A_295 = tpu.scan <sum>, %select_n3A_292 masked %reduce_sum3A_294 : vector<16xi32>, vector<16xi1> -> vector<16xi32>
      %reduce_sum3A_296 = vector.extract %reduce_sum3A_295[15] : i32 from vector<16xi32>
      %mul3A_297 = arith.constant 16 : i32
      %mul3A_298 = arith.muli %scan3A_25, %mul3A_297 : i32
      %add3A_299 = arith.constant 12 : i32
      %add3A_300 = arith.addi %mul3A_298, %add3A_299 : i32
      %dma_start3A_301 = arith.constant 0 : i32
      %dma_start3A_302 = tpu.memref_slice %arg9[%add3A_300, %dma_start3A_301] : memref<512x128xi32, #tpu.memory_space<vmem>> -> memref<1x128xi32, #tpu.memory_space<vmem>>
      %dma_start3A_303 = arith.constant 0 : i32
      %dma_start3A_304 = tpu.memref_slice %arg4[%reduce_sum3A_296, %dma_start3A_303] : memref<500000x128xi32, #tpu.memory_space<hbm>> -> memref<1x128xi32, #tpu.memory_space<hbm>>
      %dma_start3A_305 = arith.constant 0 : i32
      %dma_start3A_306 = tpu.memref_slice %arg9[%add3A_300, %dma_start3A_305] : memref<512x128xi32, #tpu.memory_space<vmem>> -> memref<1x128xi32, #tpu.memory_space<vmem>>
      %dma_start3A_307 = arith.constant 0 : i32
      %dma_start3A_308 = tpu.memref_slice %arg4[%reduce_sum3A_296, %dma_start3A_307] : memref<500000x128xi32, #tpu.memory_space<hbm>> -> memref<1x128xi32, #tpu.memory_space<hbm>>
      tpu.enqueue_dma source(%dma_start3A_308 : memref<1x128xi32, #tpu.memory_space<hbm>>) target(%dma_start3A_306 : memref<1x128xi32, #tpu.memory_space<vmem>>) target_semaphore(%arg10 : memref<!tpu.dma_semaphore, #tpu.memory_space<semaphore_mem>>)
      %eq3A_309 = arith.constant 13 : i32
      %eq3A_310 = vector.broadcast %eq3A_309 : i32 to vector<16xi32>
      %eq3A_311 = arith.cmpi eq, %iota3A, %eq3A_310 : vector<16xi32>
      %jit3A_312 = arith.constant 0 : i32
      %broadcast_in_dim3A_313 = vector.broadcast %jit3A_312 : i32 to vector<16xi32>
      %select_n3A_314 = arith.select %eq3A_311, %get3A_28, %broadcast_in_dim3A_313 : vector<16xi1>, vector<16xi32>
      %reduce_sum3A_315 = arith.constant true
      %reduce_sum3A_316 = vector.broadcast %reduce_sum3A_315 : i1 to vector<16xi1>
      %reduce_sum3A_317 = tpu.scan <sum>, %select_n3A_314 masked %reduce_sum3A_316 : vector<16xi32>, vector<16xi1> -> vector<16xi32>
      %reduce_sum3A_318 = vector.extract %reduce_sum3A_317[15] : i32 from vector<16xi32>
      %mul3A_319 = arith.constant 16 : i32
      %mul3A_320 = arith.muli %scan3A_25, %mul3A_319 : i32
      %add3A_321 = arith.constant 13 : i32
      %add3A_322 = arith.addi %mul3A_320, %add3A_321 : i32
      %dma_start3A_323 = arith.constant 0 : i32
      %dma_start3A_324 = tpu.memref_slice %arg9[%add3A_322, %dma_start3A_323] : memref<512x128xi32, #tpu.memory_space<vmem>> -> memref<1x128xi32, #tpu.memory_space<vmem>>
      %dma_start3A_325 = arith.constant 0 : i32
      %dma_start3A_326 = tpu.memref_slice %arg4[%reduce_sum3A_318, %dma_start3A_325] : memref<500000x128xi32, #tpu.memory_space<hbm>> -> memref<1x128xi32, #tpu.memory_space<hbm>>
      %dma_start3A_327 = arith.constant 0 : i32
      %dma_start3A_328 = tpu.memref_slice %arg9[%add3A_322, %dma_start3A_327] : memref<512x128xi32, #tpu.memory_space<vmem>> -> memref<1x128xi32, #tpu.memory_space<vmem>>
      %dma_start3A_329 = arith.constant 0 : i32
      %dma_start3A_330 = tpu.memref_slice %arg4[%reduce_sum3A_318, %dma_start3A_329] : memref<500000x128xi32, #tpu.memory_space<hbm>> -> memref<1x128xi32, #tpu.memory_space<hbm>>
      tpu.enqueue_dma source(%dma_start3A_330 : memref<1x128xi32, #tpu.memory_space<hbm>>) target(%dma_start3A_328 : memref<1x128xi32, #tpu.memory_space<vmem>>) target_semaphore(%arg10 : memref<!tpu.dma_semaphore, #tpu.memory_space<semaphore_mem>>)
      %eq3A_331 = arith.constant 14 : i32
      %eq3A_332 = vector.broadcast %eq3A_331 : i32 to vector<16xi32>
      %eq3A_333 = arith.cmpi eq, %iota3A, %eq3A_332 : vector<16xi32>
      %jit3A_334 = arith.constant 0 : i32
      %broadcast_in_dim3A_335 = vector.broadcast %jit3A_334 : i32 to vector<16xi32>
      %select_n3A_336 = arith.select %eq3A_333, %get3A_28, %broadcast_in_dim3A_335 : vector<16xi1>, vector<16xi32>
      %reduce_sum3A_337 = arith.constant true
      %reduce_sum3A_338 = vector.broadcast %reduce_sum3A_337 : i1 to vector<16xi1>
      %reduce_sum3A_339 = tpu.scan <sum>, %select_n3A_336 masked %reduce_sum3A_338 : vector<16xi32>, vector<16xi1> -> vector<16xi32>
      %reduce_sum3A_340 = vector.extract %reduce_sum3A_339[15] : i32 from vector<16xi32>
      %mul3A_341 = arith.constant 16 : i32
      %mul3A_342 = arith.muli %scan3A_25, %mul3A_341 : i32
      %add3A_343 = arith.constant 14 : i32
      %add3A_344 = arith.addi %mul3A_342, %add3A_343 : i32
      %dma_start3A_345 = arith.constant 0 : i32
      %dma_start3A_346 = tpu.memref_slice %arg9[%add3A_344, %dma_start3A_345] : memref<512x128xi32, #tpu.memory_space<vmem>> -> memref<1x128xi32, #tpu.memory_space<vmem>>
      %dma_start3A_347 = arith.constant 0 : i32
      %dma_start3A_348 = tpu.memref_slice %arg4[%reduce_sum3A_340, %dma_start3A_347] : memref<500000x128xi32, #tpu.memory_space<hbm>> -> memref<1x128xi32, #tpu.memory_space<hbm>>
      %dma_start3A_349 = arith.constant 0 : i32
      %dma_start3A_350 = tpu.memref_slice %arg9[%add3A_344, %dma_start3A_349] : memref<512x128xi32, #tpu.memory_space<vmem>> -> memref<1x128xi32, #tpu.memory_space<vmem>>
      %dma_start3A_351 = arith.constant 0 : i32
      %dma_start3A_352 = tpu.memref_slice %arg4[%reduce_sum3A_340, %dma_start3A_351] : memref<500000x128xi32, #tpu.memory_space<hbm>> -> memref<1x128xi32, #tpu.memory_space<hbm>>
      tpu.enqueue_dma source(%dma_start3A_352 : memref<1x128xi32, #tpu.memory_space<hbm>>) target(%dma_start3A_350 : memref<1x128xi32, #tpu.memory_space<vmem>>) target_semaphore(%arg10 : memref<!tpu.dma_semaphore, #tpu.memory_space<semaphore_mem>>)
      %eq3A_353 = arith.constant 15 : i32
      %eq3A_354 = vector.broadcast %eq3A_353 : i32 to vector<16xi32>
      %eq3A_355 = arith.cmpi eq, %iota3A, %eq3A_354 : vector<16xi32>
      %jit3A_356 = arith.constant 0 : i32
      %broadcast_in_dim3A_357 = vector.broadcast %jit3A_356 : i32 to vector<16xi32>
      %select_n3A_358 = arith.select %eq3A_355, %get3A_28, %broadcast_in_dim3A_357 : vector<16xi1>, vector<16xi32>
      %reduce_sum3A_359 = arith.constant true
      %reduce_sum3A_360 = vector.broadcast %reduce_sum3A_359 : i1 to vector<16xi1>
      %reduce_sum3A_361 = tpu.scan <sum>, %select_n3A_358 masked %reduce_sum3A_360 : vector<16xi32>, vector<16xi1> -> vector<16xi32>
      %reduce_sum3A_362 = vector.extract %reduce_sum3A_361[15] : i32 from vector<16xi32>
      %mul3A_363 = arith.constant 16 : i32
      %mul3A_364 = arith.muli %scan3A_25, %mul3A_363 : i32
      %add3A_365 = arith.constant 15 : i32
      %add3A_366 = arith.addi %mul3A_364, %add3A_365 : i32
      %dma_start3A_367 = arith.constant 0 : i32
      %dma_start3A_368 = tpu.memref_slice %arg9[%add3A_366, %dma_start3A_367] : memref<512x128xi32, #tpu.memory_space<vmem>> -> memref<1x128xi32, #tpu.memory_space<vmem>>
      %dma_start3A_369 = arith.constant 0 : i32
      %dma_start3A_370 = tpu.memref_slice %arg4[%reduce_sum3A_362, %dma_start3A_369] : memref<500000x128xi32, #tpu.memory_space<hbm>> -> memref<1x128xi32, #tpu.memory_space<hbm>>
      %dma_start3A_371 = arith.constant 0 : i32
      %dma_start3A_372 = tpu.memref_slice %arg9[%add3A_366, %dma_start3A_371] : memref<512x128xi32, #tpu.memory_space<vmem>> -> memref<1x128xi32, #tpu.memory_space<vmem>>
      %dma_start3A_373 = arith.constant 0 : i32
      %dma_start3A_374 = tpu.memref_slice %arg4[%reduce_sum3A_362, %dma_start3A_373] : memref<500000x128xi32, #tpu.memory_space<hbm>> -> memref<1x128xi32, #tpu.memory_space<hbm>>
      tpu.enqueue_dma source(%dma_start3A_374 : memref<1x128xi32, #tpu.memory_space<hbm>>) target(%dma_start3A_372 : memref<1x128xi32, #tpu.memory_space<vmem>>) target_semaphore(%arg10 : memref<!tpu.dma_semaphore, #tpu.memory_space<semaphore_mem>>)
    }
    %scan3A_7 = arith.constant 32 : i32
    %dma_wait3A = arith.constant 0 : i32
    %dma_wait3A_8 = arith.constant 0 : i32
    %dma_wait3A_9 = tpu.memref_slice %arg4[%dma_wait3A, %dma_wait3A_8] : memref<500000x128xi32, #tpu.memory_space<hbm>> -> memref<512x128xi32, #tpu.memory_space<hbm>>
    %dma_wait3A_10 = arith.constant 0 : i32
    %dma_wait3A_11 = arith.constant 0 : i32
    %dma_wait3A_12 = tpu.memref_slice %arg4[%dma_wait3A_10, %dma_wait3A_11] : memref<500000x128xi32, #tpu.memory_space<hbm>> -> memref<512x128xi32, #tpu.memory_space<hbm>>
    tpu.wait_dma2 semaphore(%arg10 : memref<!tpu.dma_semaphore, #tpu.memory_space<semaphore_mem>>) src(%dma_wait3A_12 : memref<512x128xi32, #tpu.memory_space<hbm>>) dst(%arg9 : memref<512x128xi32, #tpu.memory_space<vmem>>)
    "tpu.region"() ({
      %run_scoped3A = tpu.sem_alloc : memref<!tpu.dma_semaphore, #tpu.memory_space<semaphore_mem>>
      %dma_start3A = arith.constant 0 : i32
      %dma_start3A_25 = tpu.memref_slice %arg6[%mul3A_2, %dma_start3A] : memref<16384x128xi32, #tpu.memory_space<hbm>> -> memref<512x128xi32, #tpu.memory_space<hbm>>
      %dma_start3A_26 = arith.constant 0 : i32
      %dma_start3A_27 = tpu.memref_slice %arg6[%mul3A_2, %dma_start3A_26] : memref<16384x128xi32, #tpu.memory_space<hbm>> -> memref<512x128xi32, #tpu.memory_space<hbm>>
      tpu.enqueue_dma source(%arg9 : memref<512x128xi32, #tpu.memory_space<vmem>>) target(%dma_start3A_27 : memref<512x128xi32, #tpu.memory_space<hbm>>) target_semaphore(%run_scoped3A : memref<!tpu.dma_semaphore, #tpu.memory_space<semaphore_mem>>)
      %dma_wait3A_28 = arith.constant 0 : i32
      %dma_wait3A_29 = tpu.memref_slice %arg6[%mul3A_2, %dma_wait3A_28] : memref<16384x128xi32, #tpu.memory_space<hbm>> -> memref<512x128xi32, #tpu.memory_space<hbm>>
      %dma_wait3A_30 = arith.constant 0 : i32
      %dma_wait3A_31 = tpu.memref_slice %arg6[%mul3A_2, %dma_wait3A_30] : memref<16384x128xi32, #tpu.memory_space<hbm>> -> memref<512x128xi32, #tpu.memory_space<hbm>>
      tpu.wait_dma2 semaphore(%run_scoped3A : memref<!tpu.dma_semaphore, #tpu.memory_space<semaphore_mem>>) src(%arg9 : memref<512x128xi32, #tpu.memory_space<vmem>>) dst(%dma_wait3A_31 : memref<512x128xi32, #tpu.memory_space<hbm>>)
      tpu.yield
    }) : () -> ()
    "tpu.region"() ({
      %run_scoped3A = tpu.sem_alloc : memref<!tpu.dma_semaphore, #tpu.memory_space<semaphore_mem>>
      %dma_start3A = arith.constant 0 : i32
      %dma_start3A_25 = tpu.memref_slice %arg3[%add3A, %dma_start3A] : memref<32x512xi32, #tpu.memory_space<hbm>> -> memref<1x512xi32, #tpu.memory_space<hbm>>
      %dma_start3A_26 = tpu.memref_squeeze %dma_start3A_25 : memref<1x512xi32, #tpu.memory_space<hbm>> -> memref<512xi32, #tpu.memory_space<hbm>>
      %dma_start3A_27 = arith.constant 0 : i32
      %dma_start3A_28 = tpu.memref_slice %arg3[%add3A, %dma_start3A_27] : memref<32x512xi32, #tpu.memory_space<hbm>> -> memref<1x512xi32, #tpu.memory_space<hbm>>
      %dma_start3A_29 = tpu.memref_squeeze %dma_start3A_28 : memref<1x512xi32, #tpu.memory_space<hbm>> -> memref<512xi32, #tpu.memory_space<hbm>>
      tpu.enqueue_dma source(%dma_start3A_29 : memref<512xi32, #tpu.memory_space<hbm>>) target(%arg8 : memref<512xi32, #tpu.memory_space<vmem>>) target_semaphore(%run_scoped3A : memref<!tpu.dma_semaphore, #tpu.memory_space<semaphore_mem>>)
      %dma_wait3A_30 = arith.constant 0 : i32
      %dma_wait3A_31 = tpu.memref_slice %arg3[%add3A, %dma_wait3A_30] : memref<32x512xi32, #tpu.memory_space<hbm>> -> memref<1x512xi32, #tpu.memory_space<hbm>>
      %dma_wait3A_32 = tpu.memref_squeeze %dma_wait3A_31 : memref<1x512xi32, #tpu.memory_space<hbm>> -> memref<512xi32, #tpu.memory_space<hbm>>
      %dma_wait3A_33 = arith.constant 0 : i32
      %dma_wait3A_34 = tpu.memref_slice %arg3[%add3A, %dma_wait3A_33] : memref<32x512xi32, #tpu.memory_space<hbm>> -> memref<1x512xi32, #tpu.memory_space<hbm>>
      %dma_wait3A_35 = tpu.memref_squeeze %dma_wait3A_34 : memref<1x512xi32, #tpu.memory_space<hbm>> -> memref<512xi32, #tpu.memory_space<hbm>>
      tpu.wait_dma2 semaphore(%run_scoped3A : memref<!tpu.dma_semaphore, #tpu.memory_space<semaphore_mem>>) src(%dma_wait3A_35 : memref<512xi32, #tpu.memory_space<hbm>>) dst(%arg8 : memref<512xi32, #tpu.memory_space<vmem>>)
      tpu.yield
    }) : () -> ()
    %scan3A_13 = arith.constant 0 : i32
    %scan3A_14 = arith.constant 0 : i32
    %scan3A_15 = arith.constant 32 : i32
    %scan3A_16 = arith.addi %scan3A_14, %scan3A_15 : i32
    %scan3A_17 = arith.constant 1 : i32
    scf.for %scan3A_25 = %scan3A_14 to %scan3A_16 step %scan3A_17  : i32 {
      %mul3A_26 = arith.constant 16 : i32
      %mul3A_27 = arith.muli %scan3A_25, %mul3A_26 : i32
      %get3A = arith.index_cast %mul3A_27 : i32 to index
      %get3A_28 = tpu.vector_load %arg8[%get3A] {strides = array<i32>} : memref<512xi32, #tpu.memory_space<vmem>>, vector<16xi32>,
      %eq3A = arith.constant 0 : i32
      %eq3A_29 = vector.broadcast %eq3A : i32 to vector<16xi32>
      %eq3A_30 = arith.cmpi eq, %iota3A, %eq3A_29 : vector<16xi32>
      %jit3A = arith.constant 0 : i32
      %broadcast_in_dim3A = vector.broadcast %jit3A : i32 to vector<16xi32>
      %select_n3A = arith.select %eq3A_30, %get3A_28, %broadcast_in_dim3A : vector<16xi1>, vector<16xi32>
      %reduce_sum3A = arith.constant true
      %reduce_sum3A_31 = vector.broadcast %reduce_sum3A : i1 to vector<16xi1>
      %reduce_sum3A_32 = tpu.scan <sum>, %select_n3A masked %reduce_sum3A_31 : vector<16xi32>, vector<16xi1> -> vector<16xi32>
      %reduce_sum3A_33 = vector.extract %reduce_sum3A_32[15] : i32 from vector<16xi32>
      %mul3A_34 = arith.constant 16 : i32
      %mul3A_35 = arith.muli %scan3A_25, %mul3A_34 : i32
      %add3A_36 = arith.constant 0 : i32
      %add3A_37 = arith.addi %mul3A_35, %add3A_36 : i32
      %dma_start3A = arith.constant 0 : i32
      %dma_start3A_38 = tpu.memref_slice %arg9[%add3A_37, %dma_start3A] : memref<512x128xi32, #tpu.memory_space<vmem>> -> memref<1x128xi32, #tpu.memory_space<vmem>>
      %dma_start3A_39 = arith.constant 0 : i32
      %dma_start3A_40 = tpu.memref_slice %arg5[%reduce_sum3A_33, %dma_start3A_39] : memref<50000x128xi32, #tpu.memory_space<hbm>> -> memref<1x128xi32, #tpu.memory_space<hbm>>
      %dma_start3A_41 = arith.constant 0 : i32
      %dma_start3A_42 = tpu.memref_slice %arg9[%add3A_37, %dma_start3A_41] : memref<512x128xi32, #tpu.memory_space<vmem>> -> memref<1x128xi32, #tpu.memory_space<vmem>>
      %dma_start3A_43 = arith.constant 0 : i32
      %dma_start3A_44 = tpu.memref_slice %arg5[%reduce_sum3A_33, %dma_start3A_43] : memref<50000x128xi32, #tpu.memory_space<hbm>> -> memref<1x128xi32, #tpu.memory_space<hbm>>
      tpu.enqueue_dma source(%dma_start3A_44 : memref<1x128xi32, #tpu.memory_space<hbm>>) target(%dma_start3A_42 : memref<1x128xi32, #tpu.memory_space<vmem>>) target_semaphore(%arg10 : memref<!tpu.dma_semaphore, #tpu.memory_space<semaphore_mem>>)
      %eq3A_45 = arith.constant 1 : i32
      %eq3A_46 = vector.broadcast %eq3A_45 : i32 to vector<16xi32>
      %eq3A_47 = arith.cmpi eq, %iota3A, %eq3A_46 : vector<16xi32>
      %jit3A_48 = arith.constant 0 : i32
      %broadcast_in_dim3A_49 = vector.broadcast %jit3A_48 : i32 to vector<16xi32>
      %select_n3A_50 = arith.select %eq3A_47, %get3A_28, %broadcast_in_dim3A_49 : vector<16xi1>, vector<16xi32>
      %reduce_sum3A_51 = arith.constant true
      %reduce_sum3A_52 = vector.broadcast %reduce_sum3A_51 : i1 to vector<16xi1>
      %reduce_sum3A_53 = tpu.scan <sum>, %select_n3A_50 masked %reduce_sum3A_52 : vector<16xi32>, vector<16xi1> -> vector<16xi32>
      %reduce_sum3A_54 = vector.extract %reduce_sum3A_53[15] : i32 from vector<16xi32>
      %mul3A_55 = arith.constant 16 : i32
      %mul3A_56 = arith.muli %scan3A_25, %mul3A_55 : i32
      %add3A_57 = arith.constant 1 : i32
      %add3A_58 = arith.addi %mul3A_56, %add3A_57 : i32
      %dma_start3A_59 = arith.constant 0 : i32
      %dma_start3A_60 = tpu.memref_slice %arg9[%add3A_58, %dma_start3A_59] : memref<512x128xi32, #tpu.memory_space<vmem>> -> memref<1x128xi32, #tpu.memory_space<vmem>>
      %dma_start3A_61 = arith.constant 0 : i32
      %dma_start3A_62 = tpu.memref_slice %arg5[%reduce_sum3A_54, %dma_start3A_61] : memref<50000x128xi32, #tpu.memory_space<hbm>> -> memref<1x128xi32, #tpu.memory_space<hbm>>
      %dma_start3A_63 = arith.constant 0 : i32
      %dma_start3A_64 = tpu.memref_slice %arg9[%add3A_58, %dma_start3A_63] : memref<512x128xi32, #tpu.memory_space<vmem>> -> memref<1x128xi32, #tpu.memory_space<vmem>>
      %dma_start3A_65 = arith.constant 0 : i32
      %dma_start3A_66 = tpu.memref_slice %arg5[%reduce_sum3A_54, %dma_start3A_65] : memref<50000x128xi32, #tpu.memory_space<hbm>> -> memref<1x128xi32, #tpu.memory_space<hbm>>
      tpu.enqueue_dma source(%dma_start3A_66 : memref<1x128xi32, #tpu.memory_space<hbm>>) target(%dma_start3A_64 : memref<1x128xi32, #tpu.memory_space<vmem>>) target_semaphore(%arg10 : memref<!tpu.dma_semaphore, #tpu.memory_space<semaphore_mem>>)
      %eq3A_67 = arith.constant 2 : i32
      %eq3A_68 = vector.broadcast %eq3A_67 : i32 to vector<16xi32>
      %eq3A_69 = arith.cmpi eq, %iota3A, %eq3A_68 : vector<16xi32>
      %jit3A_70 = arith.constant 0 : i32
      %broadcast_in_dim3A_71 = vector.broadcast %jit3A_70 : i32 to vector<16xi32>
      %select_n3A_72 = arith.select %eq3A_69, %get3A_28, %broadcast_in_dim3A_71 : vector<16xi1>, vector<16xi32>
      %reduce_sum3A_73 = arith.constant true
      %reduce_sum3A_74 = vector.broadcast %reduce_sum3A_73 : i1 to vector<16xi1>
      %reduce_sum3A_75 = tpu.scan <sum>, %select_n3A_72 masked %reduce_sum3A_74 : vector<16xi32>, vector<16xi1> -> vector<16xi32>
      %reduce_sum3A_76 = vector.extract %reduce_sum3A_75[15] : i32 from vector<16xi32>
      %mul3A_77 = arith.constant 16 : i32
      %mul3A_78 = arith.muli %scan3A_25, %mul3A_77 : i32
      %add3A_79 = arith.constant 2 : i32
      %add3A_80 = arith.addi %mul3A_78, %add3A_79 : i32
      %dma_start3A_81 = arith.constant 0 : i32
      %dma_start3A_82 = tpu.memref_slice %arg9[%add3A_80, %dma_start3A_81] : memref<512x128xi32, #tpu.memory_space<vmem>> -> memref<1x128xi32, #tpu.memory_space<vmem>>
      %dma_start3A_83 = arith.constant 0 : i32
      %dma_start3A_84 = tpu.memref_slice %arg5[%reduce_sum3A_76, %dma_start3A_83] : memref<50000x128xi32, #tpu.memory_space<hbm>> -> memref<1x128xi32, #tpu.memory_space<hbm>>
      %dma_start3A_85 = arith.constant 0 : i32
      %dma_start3A_86 = tpu.memref_slice %arg9[%add3A_80, %dma_start3A_85] : memref<512x128xi32, #tpu.memory_space<vmem>> -> memref<1x128xi32, #tpu.memory_space<vmem>>
      %dma_start3A_87 = arith.constant 0 : i32
      %dma_start3A_88 = tpu.memref_slice %arg5[%reduce_sum3A_76, %dma_start3A_87] : memref<50000x128xi32, #tpu.memory_space<hbm>> -> memref<1x128xi32, #tpu.memory_space<hbm>>
      tpu.enqueue_dma source(%dma_start3A_88 : memref<1x128xi32, #tpu.memory_space<hbm>>) target(%dma_start3A_86 : memref<1x128xi32, #tpu.memory_space<vmem>>) target_semaphore(%arg10 : memref<!tpu.dma_semaphore, #tpu.memory_space<semaphore_mem>>)
      %eq3A_89 = arith.constant 3 : i32
      %eq3A_90 = vector.broadcast %eq3A_89 : i32 to vector<16xi32>
      %eq3A_91 = arith.cmpi eq, %iota3A, %eq3A_90 : vector<16xi32>
      %jit3A_92 = arith.constant 0 : i32
      %broadcast_in_dim3A_93 = vector.broadcast %jit3A_92 : i32 to vector<16xi32>
      %select_n3A_94 = arith.select %eq3A_91, %get3A_28, %broadcast_in_dim3A_93 : vector<16xi1>, vector<16xi32>
      %reduce_sum3A_95 = arith.constant true
      %reduce_sum3A_96 = vector.broadcast %reduce_sum3A_95 : i1 to vector<16xi1>
      %reduce_sum3A_97 = tpu.scan <sum>, %select_n3A_94 masked %reduce_sum3A_96 : vector<16xi32>, vector<16xi1> -> vector<16xi32>
      %reduce_sum3A_98 = vector.extract %reduce_sum3A_97[15] : i32 from vector<16xi32>
      %mul3A_99 = arith.constant 16 : i32
      %mul3A_100 = arith.muli %scan3A_25, %mul3A_99 : i32
      %add3A_101 = arith.constant 3 : i32
      %add3A_102 = arith.addi %mul3A_100, %add3A_101 : i32
      %dma_start3A_103 = arith.constant 0 : i32
      %dma_start3A_104 = tpu.memref_slice %arg9[%add3A_102, %dma_start3A_103] : memref<512x128xi32, #tpu.memory_space<vmem>> -> memref<1x128xi32, #tpu.memory_space<vmem>>
      %dma_start3A_105 = arith.constant 0 : i32
      %dma_start3A_106 = tpu.memref_slice %arg5[%reduce_sum3A_98, %dma_start3A_105] : memref<50000x128xi32, #tpu.memory_space<hbm>> -> memref<1x128xi32, #tpu.memory_space<hbm>>
      %dma_start3A_107 = arith.constant 0 : i32
      %dma_start3A_108 = tpu.memref_slice %arg9[%add3A_102, %dma_start3A_107] : memref<512x128xi32, #tpu.memory_space<vmem>> -> memref<1x128xi32, #tpu.memory_space<vmem>>
      %dma_start3A_109 = arith.constant 0 : i32
      %dma_start3A_110 = tpu.memref_slice %arg5[%reduce_sum3A_98, %dma_start3A_109] : memref<50000x128xi32, #tpu.memory_space<hbm>> -> memref<1x128xi32, #tpu.memory_space<hbm>>
      tpu.enqueue_dma source(%dma_start3A_110 : memref<1x128xi32, #tpu.memory_space<hbm>>) target(%dma_start3A_108 : memref<1x128xi32, #tpu.memory_space<vmem>>) target_semaphore(%arg10 : memref<!tpu.dma_semaphore, #tpu.memory_space<semaphore_mem>>)
      %eq3A_111 = arith.constant 4 : i32
      %eq3A_112 = vector.broadcast %eq3A_111 : i32 to vector<16xi32>
      %eq3A_113 = arith.cmpi eq, %iota3A, %eq3A_112 : vector<16xi32>
      %jit3A_114 = arith.constant 0 : i32
      %broadcast_in_dim3A_115 = vector.broadcast %jit3A_114 : i32 to vector<16xi32>
      %select_n3A_116 = arith.select %eq3A_113, %get3A_28, %broadcast_in_dim3A_115 : vector<16xi1>, vector<16xi32>
      %reduce_sum3A_117 = arith.constant true
      %reduce_sum3A_118 = vector.broadcast %reduce_sum3A_117 : i1 to vector<16xi1>
      %reduce_sum3A_119 = tpu.scan <sum>, %select_n3A_116 masked %reduce_sum3A_118 : vector<16xi32>, vector<16xi1> -> vector<16xi32>
      %reduce_sum3A_120 = vector.extract %reduce_sum3A_119[15] : i32 from vector<16xi32>
      %mul3A_121 = arith.constant 16 : i32
      %mul3A_122 = arith.muli %scan3A_25, %mul3A_121 : i32
      %add3A_123 = arith.constant 4 : i32
      %add3A_124 = arith.addi %mul3A_122, %add3A_123 : i32
      %dma_start3A_125 = arith.constant 0 : i32
      %dma_start3A_126 = tpu.memref_slice %arg9[%add3A_124, %dma_start3A_125] : memref<512x128xi32, #tpu.memory_space<vmem>> -> memref<1x128xi32, #tpu.memory_space<vmem>>
      %dma_start3A_127 = arith.constant 0 : i32
      %dma_start3A_128 = tpu.memref_slice %arg5[%reduce_sum3A_120, %dma_start3A_127] : memref<50000x128xi32, #tpu.memory_space<hbm>> -> memref<1x128xi32, #tpu.memory_space<hbm>>
      %dma_start3A_129 = arith.constant 0 : i32
      %dma_start3A_130 = tpu.memref_slice %arg9[%add3A_124, %dma_start3A_129] : memref<512x128xi32, #tpu.memory_space<vmem>> -> memref<1x128xi32, #tpu.memory_space<vmem>>
      %dma_start3A_131 = arith.constant 0 : i32
      %dma_start3A_132 = tpu.memref_slice %arg5[%reduce_sum3A_120, %dma_start3A_131] : memref<50000x128xi32, #tpu.memory_space<hbm>> -> memref<1x128xi32, #tpu.memory_space<hbm>>
      tpu.enqueue_dma source(%dma_start3A_132 : memref<1x128xi32, #tpu.memory_space<hbm>>) target(%dma_start3A_130 : memref<1x128xi32, #tpu.memory_space<vmem>>) target_semaphore(%arg10 : memref<!tpu.dma_semaphore, #tpu.memory_space<semaphore_mem>>)
      %eq3A_133 = arith.constant 5 : i32
      %eq3A_134 = vector.broadcast %eq3A_133 : i32 to vector<16xi32>
      %eq3A_135 = arith.cmpi eq, %iota3A, %eq3A_134 : vector<16xi32>
      %jit3A_136 = arith.constant 0 : i32
      %broadcast_in_dim3A_137 = vector.broadcast %jit3A_136 : i32 to vector<16xi32>
      %select_n3A_138 = arith.select %eq3A_135, %get3A_28, %broadcast_in_dim3A_137 : vector<16xi1>, vector<16xi32>
      %reduce_sum3A_139 = arith.constant true
      %reduce_sum3A_140 = vector.broadcast %reduce_sum3A_139 : i1 to vector<16xi1>
      %reduce_sum3A_141 = tpu.scan <sum>, %select_n3A_138 masked %reduce_sum3A_140 : vector<16xi32>, vector<16xi1> -> vector<16xi32>
      %reduce_sum3A_142 = vector.extract %reduce_sum3A_141[15] : i32 from vector<16xi32>
      %mul3A_143 = arith.constant 16 : i32
      %mul3A_144 = arith.muli %scan3A_25, %mul3A_143 : i32
      %add3A_145 = arith.constant 5 : i32
      %add3A_146 = arith.addi %mul3A_144, %add3A_145 : i32
      %dma_start3A_147 = arith.constant 0 : i32
      %dma_start3A_148 = tpu.memref_slice %arg9[%add3A_146, %dma_start3A_147] : memref<512x128xi32, #tpu.memory_space<vmem>> -> memref<1x128xi32, #tpu.memory_space<vmem>>
      %dma_start3A_149 = arith.constant 0 : i32
      %dma_start3A_150 = tpu.memref_slice %arg5[%reduce_sum3A_142, %dma_start3A_149] : memref<50000x128xi32, #tpu.memory_space<hbm>> -> memref<1x128xi32, #tpu.memory_space<hbm>>
      %dma_start3A_151 = arith.constant 0 : i32
      %dma_start3A_152 = tpu.memref_slice %arg9[%add3A_146, %dma_start3A_151] : memref<512x128xi32, #tpu.memory_space<vmem>> -> memref<1x128xi32, #tpu.memory_space<vmem>>
      %dma_start3A_153 = arith.constant 0 : i32
      %dma_start3A_154 = tpu.memref_slice %arg5[%reduce_sum3A_142, %dma_start3A_153] : memref<50000x128xi32, #tpu.memory_space<hbm>> -> memref<1x128xi32, #tpu.memory_space<hbm>>
      tpu.enqueue_dma source(%dma_start3A_154 : memref<1x128xi32, #tpu.memory_space<hbm>>) target(%dma_start3A_152 : memref<1x128xi32, #tpu.memory_space<vmem>>) target_semaphore(%arg10 : memref<!tpu.dma_semaphore, #tpu.memory_space<semaphore_mem>>)
      %eq3A_155 = arith.constant 6 : i32
      %eq3A_156 = vector.broadcast %eq3A_155 : i32 to vector<16xi32>
      %eq3A_157 = arith.cmpi eq, %iota3A, %eq3A_156 : vector<16xi32>
      %jit3A_158 = arith.constant 0 : i32
      %broadcast_in_dim3A_159 = vector.broadcast %jit3A_158 : i32 to vector<16xi32>
      %select_n3A_160 = arith.select %eq3A_157, %get3A_28, %broadcast_in_dim3A_159 : vector<16xi1>, vector<16xi32>
      %reduce_sum3A_161 = arith.constant true
      %reduce_sum3A_162 = vector.broadcast %reduce_sum3A_161 : i1 to vector<16xi1>
      %reduce_sum3A_163 = tpu.scan <sum>, %select_n3A_160 masked %reduce_sum3A_162 : vector<16xi32>, vector<16xi1> -> vector<16xi32>
      %reduce_sum3A_164 = vector.extract %reduce_sum3A_163[15] : i32 from vector<16xi32>
      %mul3A_165 = arith.constant 16 : i32
      %mul3A_166 = arith.muli %scan3A_25, %mul3A_165 : i32
      %add3A_167 = arith.constant 6 : i32
      %add3A_168 = arith.addi %mul3A_166, %add3A_167 : i32
      %dma_start3A_169 = arith.constant 0 : i32
      %dma_start3A_170 = tpu.memref_slice %arg9[%add3A_168, %dma_start3A_169] : memref<512x128xi32, #tpu.memory_space<vmem>> -> memref<1x128xi32, #tpu.memory_space<vmem>>
      %dma_start3A_171 = arith.constant 0 : i32
      %dma_start3A_172 = tpu.memref_slice %arg5[%reduce_sum3A_164, %dma_start3A_171] : memref<50000x128xi32, #tpu.memory_space<hbm>> -> memref<1x128xi32, #tpu.memory_space<hbm>>
      %dma_start3A_173 = arith.constant 0 : i32
      %dma_start3A_174 = tpu.memref_slice %arg9[%add3A_168, %dma_start3A_173] : memref<512x128xi32, #tpu.memory_space<vmem>> -> memref<1x128xi32, #tpu.memory_space<vmem>>
      %dma_start3A_175 = arith.constant 0 : i32
      %dma_start3A_176 = tpu.memref_slice %arg5[%reduce_sum3A_164, %dma_start3A_175] : memref<50000x128xi32, #tpu.memory_space<hbm>> -> memref<1x128xi32, #tpu.memory_space<hbm>>
      tpu.enqueue_dma source(%dma_start3A_176 : memref<1x128xi32, #tpu.memory_space<hbm>>) target(%dma_start3A_174 : memref<1x128xi32, #tpu.memory_space<vmem>>) target_semaphore(%arg10 : memref<!tpu.dma_semaphore, #tpu.memory_space<semaphore_mem>>)
      %eq3A_177 = arith.constant 7 : i32
      %eq3A_178 = vector.broadcast %eq3A_177 : i32 to vector<16xi32>
      %eq3A_179 = arith.cmpi eq, %iota3A, %eq3A_178 : vector<16xi32>
      %jit3A_180 = arith.constant 0 : i32
      %broadcast_in_dim3A_181 = vector.broadcast %jit3A_180 : i32 to vector<16xi32>
      %select_n3A_182 = arith.select %eq3A_179, %get3A_28, %broadcast_in_dim3A_181 : vector<16xi1>, vector<16xi32>
      %reduce_sum3A_183 = arith.constant true
      %reduce_sum3A_184 = vector.broadcast %reduce_sum3A_183 : i1 to vector<16xi1>
      %reduce_sum3A_185 = tpu.scan <sum>, %select_n3A_182 masked %reduce_sum3A_184 : vector<16xi32>, vector<16xi1> -> vector<16xi32>
      %reduce_sum3A_186 = vector.extract %reduce_sum3A_185[15] : i32 from vector<16xi32>
      %mul3A_187 = arith.constant 16 : i32
      %mul3A_188 = arith.muli %scan3A_25, %mul3A_187 : i32
      %add3A_189 = arith.constant 7 : i32
      %add3A_190 = arith.addi %mul3A_188, %add3A_189 : i32
      %dma_start3A_191 = arith.constant 0 : i32
      %dma_start3A_192 = tpu.memref_slice %arg9[%add3A_190, %dma_start3A_191] : memref<512x128xi32, #tpu.memory_space<vmem>> -> memref<1x128xi32, #tpu.memory_space<vmem>>
      %dma_start3A_193 = arith.constant 0 : i32
      %dma_start3A_194 = tpu.memref_slice %arg5[%reduce_sum3A_186, %dma_start3A_193] : memref<50000x128xi32, #tpu.memory_space<hbm>> -> memref<1x128xi32, #tpu.memory_space<hbm>>
      %dma_start3A_195 = arith.constant 0 : i32
      %dma_start3A_196 = tpu.memref_slice %arg9[%add3A_190, %dma_start3A_195] : memref<512x128xi32, #tpu.memory_space<vmem>> -> memref<1x128xi32, #tpu.memory_space<vmem>>
      %dma_start3A_197 = arith.constant 0 : i32
      %dma_start3A_198 = tpu.memref_slice %arg5[%reduce_sum3A_186, %dma_start3A_197] : memref<50000x128xi32, #tpu.memory_space<hbm>> -> memref<1x128xi32, #tpu.memory_space<hbm>>
      tpu.enqueue_dma source(%dma_start3A_198 : memref<1x128xi32, #tpu.memory_space<hbm>>) target(%dma_start3A_196 : memref<1x128xi32, #tpu.memory_space<vmem>>) target_semaphore(%arg10 : memref<!tpu.dma_semaphore, #tpu.memory_space<semaphore_mem>>)
      %eq3A_199 = arith.constant 8 : i32
      %eq3A_200 = vector.broadcast %eq3A_199 : i32 to vector<16xi32>
      %eq3A_201 = arith.cmpi eq, %iota3A, %eq3A_200 : vector<16xi32>
      %jit3A_202 = arith.constant 0 : i32
      %broadcast_in_dim3A_203 = vector.broadcast %jit3A_202 : i32 to vector<16xi32>
      %select_n3A_204 = arith.select %eq3A_201, %get3A_28, %broadcast_in_dim3A_203 : vector<16xi1>, vector<16xi32>
      %reduce_sum3A_205 = arith.constant true
      %reduce_sum3A_206 = vector.broadcast %reduce_sum3A_205 : i1 to vector<16xi1>
      %reduce_sum3A_207 = tpu.scan <sum>, %select_n3A_204 masked %reduce_sum3A_206 : vector<16xi32>, vector<16xi1> -> vector<16xi32>
      %reduce_sum3A_208 = vector.extract %reduce_sum3A_207[15] : i32 from vector<16xi32>
      %mul3A_209 = arith.constant 16 : i32
      %mul3A_210 = arith.muli %scan3A_25, %mul3A_209 : i32
      %add3A_211 = arith.constant 8 : i32
      %add3A_212 = arith.addi %mul3A_210, %add3A_211 : i32
      %dma_start3A_213 = arith.constant 0 : i32
      %dma_start3A_214 = tpu.memref_slice %arg9[%add3A_212, %dma_start3A_213] : memref<512x128xi32, #tpu.memory_space<vmem>> -> memref<1x128xi32, #tpu.memory_space<vmem>>
      %dma_start3A_215 = arith.constant 0 : i32
      %dma_start3A_216 = tpu.memref_slice %arg5[%reduce_sum3A_208, %dma_start3A_215] : memref<50000x128xi32, #tpu.memory_space<hbm>> -> memref<1x128xi32, #tpu.memory_space<hbm>>
      %dma_start3A_217 = arith.constant 0 : i32
      %dma_start3A_218 = tpu.memref_slice %arg9[%add3A_212, %dma_start3A_217] : memref<512x128xi32, #tpu.memory_space<vmem>> -> memref<1x128xi32, #tpu.memory_space<vmem>>
      %dma_start3A_219 = arith.constant 0 : i32
      %dma_start3A_220 = tpu.memref_slice %arg5[%reduce_sum3A_208, %dma_start3A_219] : memref<50000x128xi32, #tpu.memory_space<hbm>> -> memref<1x128xi32, #tpu.memory_space<hbm>>
      tpu.enqueue_dma source(%dma_start3A_220 : memref<1x128xi32, #tpu.memory_space<hbm>>) target(%dma_start3A_218 : memref<1x128xi32, #tpu.memory_space<vmem>>) target_semaphore(%arg10 : memref<!tpu.dma_semaphore, #tpu.memory_space<semaphore_mem>>)
      %eq3A_221 = arith.constant 9 : i32
      %eq3A_222 = vector.broadcast %eq3A_221 : i32 to vector<16xi32>
      %eq3A_223 = arith.cmpi eq, %iota3A, %eq3A_222 : vector<16xi32>
      %jit3A_224 = arith.constant 0 : i32
      %broadcast_in_dim3A_225 = vector.broadcast %jit3A_224 : i32 to vector<16xi32>
      %select_n3A_226 = arith.select %eq3A_223, %get3A_28, %broadcast_in_dim3A_225 : vector<16xi1>, vector<16xi32>
      %reduce_sum3A_227 = arith.constant true
      %reduce_sum3A_228 = vector.broadcast %reduce_sum3A_227 : i1 to vector<16xi1>
      %reduce_sum3A_229 = tpu.scan <sum>, %select_n3A_226 masked %reduce_sum3A_228 : vector<16xi32>, vector<16xi1> -> vector<16xi32>
      %reduce_sum3A_230 = vector.extract %reduce_sum3A_229[15] : i32 from vector<16xi32>
      %mul3A_231 = arith.constant 16 : i32
      %mul3A_232 = arith.muli %scan3A_25, %mul3A_231 : i32
      %add3A_233 = arith.constant 9 : i32
      %add3A_234 = arith.addi %mul3A_232, %add3A_233 : i32
      %dma_start3A_235 = arith.constant 0 : i32
      %dma_start3A_236 = tpu.memref_slice %arg9[%add3A_234, %dma_start3A_235] : memref<512x128xi32, #tpu.memory_space<vmem>> -> memref<1x128xi32, #tpu.memory_space<vmem>>
      %dma_start3A_237 = arith.constant 0 : i32
      %dma_start3A_238 = tpu.memref_slice %arg5[%reduce_sum3A_230, %dma_start3A_237] : memref<50000x128xi32, #tpu.memory_space<hbm>> -> memref<1x128xi32, #tpu.memory_space<hbm>>
      %dma_start3A_239 = arith.constant 0 : i32
      %dma_start3A_240 = tpu.memref_slice %arg9[%add3A_234, %dma_start3A_239] : memref<512x128xi32, #tpu.memory_space<vmem>> -> memref<1x128xi32, #tpu.memory_space<vmem>>
      %dma_start3A_241 = arith.constant 0 : i32
      %dma_start3A_242 = tpu.memref_slice %arg5[%reduce_sum3A_230, %dma_start3A_241] : memref<50000x128xi32, #tpu.memory_space<hbm>> -> memref<1x128xi32, #tpu.memory_space<hbm>>
      tpu.enqueue_dma source(%dma_start3A_242 : memref<1x128xi32, #tpu.memory_space<hbm>>) target(%dma_start3A_240 : memref<1x128xi32, #tpu.memory_space<vmem>>) target_semaphore(%arg10 : memref<!tpu.dma_semaphore, #tpu.memory_space<semaphore_mem>>)
      %eq3A_243 = arith.constant 10 : i32
      %eq3A_244 = vector.broadcast %eq3A_243 : i32 to vector<16xi32>
      %eq3A_245 = arith.cmpi eq, %iota3A, %eq3A_244 : vector<16xi32>
      %jit3A_246 = arith.constant 0 : i32
      %broadcast_in_dim3A_247 = vector.broadcast %jit3A_246 : i32 to vector<16xi32>
      %select_n3A_248 = arith.select %eq3A_245, %get3A_28, %broadcast_in_dim3A_247 : vector<16xi1>, vector<16xi32>
      %reduce_sum3A_249 = arith.constant true
      %reduce_sum3A_250 = vector.broadcast %reduce_sum3A_249 : i1 to vector<16xi1>
      %reduce_sum3A_251 = tpu.scan <sum>, %select_n3A_248 masked %reduce_sum3A_250 : vector<16xi32>, vector<16xi1> -> vector<16xi32>
      %reduce_sum3A_252 = vector.extract %reduce_sum3A_251[15] : i32 from vector<16xi32>
      %mul3A_253 = arith.constant 16 : i32
      %mul3A_254 = arith.muli %scan3A_25, %mul3A_253 : i32
      %add3A_255 = arith.constant 10 : i32
      %add3A_256 = arith.addi %mul3A_254, %add3A_255 : i32
      %dma_start3A_257 = arith.constant 0 : i32
      %dma_start3A_258 = tpu.memref_slice %arg9[%add3A_256, %dma_start3A_257] : memref<512x128xi32, #tpu.memory_space<vmem>> -> memref<1x128xi32, #tpu.memory_space<vmem>>
      %dma_start3A_259 = arith.constant 0 : i32
      %dma_start3A_260 = tpu.memref_slice %arg5[%reduce_sum3A_252, %dma_start3A_259] : memref<50000x128xi32, #tpu.memory_space<hbm>> -> memref<1x128xi32, #tpu.memory_space<hbm>>
      %dma_start3A_261 = arith.constant 0 : i32
      %dma_start3A_262 = tpu.memref_slice %arg9[%add3A_256, %dma_start3A_261] : memref<512x128xi32, #tpu.memory_space<vmem>> -> memref<1x128xi32, #tpu.memory_space<vmem>>
      %dma_start3A_263 = arith.constant 0 : i32
      %dma_start3A_264 = tpu.memref_slice %arg5[%reduce_sum3A_252, %dma_start3A_263] : memref<50000x128xi32, #tpu.memory_space<hbm>> -> memref<1x128xi32, #tpu.memory_space<hbm>>
      tpu.enqueue_dma source(%dma_start3A_264 : memref<1x128xi32, #tpu.memory_space<hbm>>) target(%dma_start3A_262 : memref<1x128xi32, #tpu.memory_space<vmem>>) target_semaphore(%arg10 : memref<!tpu.dma_semaphore, #tpu.memory_space<semaphore_mem>>)
      %eq3A_265 = arith.constant 11 : i32
      %eq3A_266 = vector.broadcast %eq3A_265 : i32 to vector<16xi32>
      %eq3A_267 = arith.cmpi eq, %iota3A, %eq3A_266 : vector<16xi32>
      %jit3A_268 = arith.constant 0 : i32
      %broadcast_in_dim3A_269 = vector.broadcast %jit3A_268 : i32 to vector<16xi32>
      %select_n3A_270 = arith.select %eq3A_267, %get3A_28, %broadcast_in_dim3A_269 : vector<16xi1>, vector<16xi32>
      %reduce_sum3A_271 = arith.constant true
      %reduce_sum3A_272 = vector.broadcast %reduce_sum3A_271 : i1 to vector<16xi1>
      %reduce_sum3A_273 = tpu.scan <sum>, %select_n3A_270 masked %reduce_sum3A_272 : vector<16xi32>, vector<16xi1> -> vector<16xi32>
      %reduce_sum3A_274 = vector.extract %reduce_sum3A_273[15] : i32 from vector<16xi32>
      %mul3A_275 = arith.constant 16 : i32
      %mul3A_276 = arith.muli %scan3A_25, %mul3A_275 : i32
      %add3A_277 = arith.constant 11 : i32
      %add3A_278 = arith.addi %mul3A_276, %add3A_277 : i32
      %dma_start3A_279 = arith.constant 0 : i32
      %dma_start3A_280 = tpu.memref_slice %arg9[%add3A_278, %dma_start3A_279] : memref<512x128xi32, #tpu.memory_space<vmem>> -> memref<1x128xi32, #tpu.memory_space<vmem>>
      %dma_start3A_281 = arith.constant 0 : i32
      %dma_start3A_282 = tpu.memref_slice %arg5[%reduce_sum3A_274, %dma_start3A_281] : memref<50000x128xi32, #tpu.memory_space<hbm>> -> memref<1x128xi32, #tpu.memory_space<hbm>>
      %dma_start3A_283 = arith.constant 0 : i32
      %dma_start3A_284 = tpu.memref_slice %arg9[%add3A_278, %dma_start3A_283] : memref<512x128xi32, #tpu.memory_space<vmem>> -> memref<1x128xi32, #tpu.memory_space<vmem>>
      %dma_start3A_285 = arith.constant 0 : i32
      %dma_start3A_286 = tpu.memref_slice %arg5[%reduce_sum3A_274, %dma_start3A_285] : memref<50000x128xi32, #tpu.memory_space<hbm>> -> memref<1x128xi32, #tpu.memory_space<hbm>>
      tpu.enqueue_dma source(%dma_start3A_286 : memref<1x128xi32, #tpu.memory_space<hbm>>) target(%dma_start3A_284 : memref<1x128xi32, #tpu.memory_space<vmem>>) target_semaphore(%arg10 : memref<!tpu.dma_semaphore, #tpu.memory_space<semaphore_mem>>)
      %eq3A_287 = arith.constant 12 : i32
      %eq3A_288 = vector.broadcast %eq3A_287 : i32 to vector<16xi32>
      %eq3A_289 = arith.cmpi eq, %iota3A, %eq3A_288 : vector<16xi32>
      %jit3A_290 = arith.constant 0 : i32
      %broadcast_in_dim3A_291 = vector.broadcast %jit3A_290 : i32 to vector<16xi32>
      %select_n3A_292 = arith.select %eq3A_289, %get3A_28, %broadcast_in_dim3A_291 : vector<16xi1>, vector<16xi32>
      %reduce_sum3A_293 = arith.constant true
      %reduce_sum3A_294 = vector.broadcast %reduce_sum3A_293 : i1 to vector<16xi1>
      %reduce_sum3A_295 = tpu.scan <sum>, %select_n3A_292 masked %reduce_sum3A_294 : vector<16xi32>, vector<16xi1> -> vector<16xi32>
      %reduce_sum3A_296 = vector.extract %reduce_sum3A_295[15] : i32 from vector<16xi32>
      %mul3A_297 = arith.constant 16 : i32
      %mul3A_298 = arith.muli %scan3A_25, %mul3A_297 : i32
      %add3A_299 = arith.constant 12 : i32
      %add3A_300 = arith.addi %mul3A_298, %add3A_299 : i32
      %dma_start3A_301 = arith.constant 0 : i32
      %dma_start3A_302 = tpu.memref_slice %arg9[%add3A_300, %dma_start3A_301] : memref<512x128xi32, #tpu.memory_space<vmem>> -> memref<1x128xi32, #tpu.memory_space<vmem>>
      %dma_start3A_303 = arith.constant 0 : i32
      %dma_start3A_304 = tpu.memref_slice %arg5[%reduce_sum3A_296, %dma_start3A_303] : memref<50000x128xi32, #tpu.memory_space<hbm>> -> memref<1x128xi32, #tpu.memory_space<hbm>>
      %dma_start3A_305 = arith.constant 0 : i32
      %dma_start3A_306 = tpu.memref_slice %arg9[%add3A_300, %dma_start3A_305] : memref<512x128xi32, #tpu.memory_space<vmem>> -> memref<1x128xi32, #tpu.memory_space<vmem>>
      %dma_start3A_307 = arith.constant 0 : i32
      %dma_start3A_308 = tpu.memref_slice %arg5[%reduce_sum3A_296, %dma_start3A_307] : memref<50000x128xi32, #tpu.memory_space<hbm>> -> memref<1x128xi32, #tpu.memory_space<hbm>>
      tpu.enqueue_dma source(%dma_start3A_308 : memref<1x128xi32, #tpu.memory_space<hbm>>) target(%dma_start3A_306 : memref<1x128xi32, #tpu.memory_space<vmem>>) target_semaphore(%arg10 : memref<!tpu.dma_semaphore, #tpu.memory_space<semaphore_mem>>)
      %eq3A_309 = arith.constant 13 : i32
      %eq3A_310 = vector.broadcast %eq3A_309 : i32 to vector<16xi32>
      %eq3A_311 = arith.cmpi eq, %iota3A, %eq3A_310 : vector<16xi32>
      %jit3A_312 = arith.constant 0 : i32
      %broadcast_in_dim3A_313 = vector.broadcast %jit3A_312 : i32 to vector<16xi32>
      %select_n3A_314 = arith.select %eq3A_311, %get3A_28, %broadcast_in_dim3A_313 : vector<16xi1>, vector<16xi32>
      %reduce_sum3A_315 = arith.constant true
      %reduce_sum3A_316 = vector.broadcast %reduce_sum3A_315 : i1 to vector<16xi1>
      %reduce_sum3A_317 = tpu.scan <sum>, %select_n3A_314 masked %reduce_sum3A_316 : vector<16xi32>, vector<16xi1> -> vector<16xi32>
      %reduce_sum3A_318 = vector.extract %reduce_sum3A_317[15] : i32 from vector<16xi32>
      %mul3A_319 = arith.constant 16 : i32
      %mul3A_320 = arith.muli %scan3A_25, %mul3A_319 : i32
      %add3A_321 = arith.constant 13 : i32
      %add3A_322 = arith.addi %mul3A_320, %add3A_321 : i32
      %dma_start3A_323 = arith.constant 0 : i32
      %dma_start3A_324 = tpu.memref_slice %arg9[%add3A_322, %dma_start3A_323] : memref<512x128xi32, #tpu.memory_space<vmem>> -> memref<1x128xi32, #tpu.memory_space<vmem>>
      %dma_start3A_325 = arith.constant 0 : i32
      %dma_start3A_326 = tpu.memref_slice %arg5[%reduce_sum3A_318, %dma_start3A_325] : memref<50000x128xi32, #tpu.memory_space<hbm>> -> memref<1x128xi32, #tpu.memory_space<hbm>>
      %dma_start3A_327 = arith.constant 0 : i32
      %dma_start3A_328 = tpu.memref_slice %arg9[%add3A_322, %dma_start3A_327] : memref<512x128xi32, #tpu.memory_space<vmem>> -> memref<1x128xi32, #tpu.memory_space<vmem>>
      %dma_start3A_329 = arith.constant 0 : i32
      %dma_start3A_330 = tpu.memref_slice %arg5[%reduce_sum3A_318, %dma_start3A_329] : memref<50000x128xi32, #tpu.memory_space<hbm>> -> memref<1x128xi32, #tpu.memory_space<hbm>>
      tpu.enqueue_dma source(%dma_start3A_330 : memref<1x128xi32, #tpu.memory_space<hbm>>) target(%dma_start3A_328 : memref<1x128xi32, #tpu.memory_space<vmem>>) target_semaphore(%arg10 : memref<!tpu.dma_semaphore, #tpu.memory_space<semaphore_mem>>)
      %eq3A_331 = arith.constant 14 : i32
      %eq3A_332 = vector.broadcast %eq3A_331 : i32 to vector<16xi32>
      %eq3A_333 = arith.cmpi eq, %iota3A, %eq3A_332 : vector<16xi32>
      %jit3A_334 = arith.constant 0 : i32
      %broadcast_in_dim3A_335 = vector.broadcast %jit3A_334 : i32 to vector<16xi32>
      %select_n3A_336 = arith.select %eq3A_333, %get3A_28, %broadcast_in_dim3A_335 : vector<16xi1>, vector<16xi32>
      %reduce_sum3A_337 = arith.constant true
      %reduce_sum3A_338 = vector.broadcast %reduce_sum3A_337 : i1 to vector<16xi1>
      %reduce_sum3A_339 = tpu.scan <sum>, %select_n3A_336 masked %reduce_sum3A_338 : vector<16xi32>, vector<16xi1> -> vector<16xi32>
      %reduce_sum3A_340 = vector.extract %reduce_sum3A_339[15] : i32 from vector<16xi32>
      %mul3A_341 = arith.constant 16 : i32
      %mul3A_342 = arith.muli %scan3A_25, %mul3A_341 : i32
      %add3A_343 = arith.constant 14 : i32
      %add3A_344 = arith.addi %mul3A_342, %add3A_343 : i32
      %dma_start3A_345 = arith.constant 0 : i32
      %dma_start3A_346 = tpu.memref_slice %arg9[%add3A_344, %dma_start3A_345] : memref<512x128xi32, #tpu.memory_space<vmem>> -> memref<1x128xi32, #tpu.memory_space<vmem>>
      %dma_start3A_347 = arith.constant 0 : i32
      %dma_start3A_348 = tpu.memref_slice %arg5[%reduce_sum3A_340, %dma_start3A_347] : memref<50000x128xi32, #tpu.memory_space<hbm>> -> memref<1x128xi32, #tpu.memory_space<hbm>>
      %dma_start3A_349 = arith.constant 0 : i32
      %dma_start3A_350 = tpu.memref_slice %arg9[%add3A_344, %dma_start3A_349] : memref<512x128xi32, #tpu.memory_space<vmem>> -> memref<1x128xi32, #tpu.memory_space<vmem>>
      %dma_start3A_351 = arith.constant 0 : i32
      %dma_start3A_352 = tpu.memref_slice %arg5[%reduce_sum3A_340, %dma_start3A_351] : memref<50000x128xi32, #tpu.memory_space<hbm>> -> memref<1x128xi32, #tpu.memory_space<hbm>>
      tpu.enqueue_dma source(%dma_start3A_352 : memref<1x128xi32, #tpu.memory_space<hbm>>) target(%dma_start3A_350 : memref<1x128xi32, #tpu.memory_space<vmem>>) target_semaphore(%arg10 : memref<!tpu.dma_semaphore, #tpu.memory_space<semaphore_mem>>)
      %eq3A_353 = arith.constant 15 : i32
      %eq3A_354 = vector.broadcast %eq3A_353 : i32 to vector<16xi32>
      %eq3A_355 = arith.cmpi eq, %iota3A, %eq3A_354 : vector<16xi32>
      %jit3A_356 = arith.constant 0 : i32
      %broadcast_in_dim3A_357 = vector.broadcast %jit3A_356 : i32 to vector<16xi32>
      %select_n3A_358 = arith.select %eq3A_355, %get3A_28, %broadcast_in_dim3A_357 : vector<16xi1>, vector<16xi32>
      %reduce_sum3A_359 = arith.constant true
      %reduce_sum3A_360 = vector.broadcast %reduce_sum3A_359 : i1 to vector<16xi1>
      %reduce_sum3A_361 = tpu.scan <sum>, %select_n3A_358 masked %reduce_sum3A_360 : vector<16xi32>, vector<16xi1> -> vector<16xi32>
      %reduce_sum3A_362 = vector.extract %reduce_sum3A_361[15] : i32 from vector<16xi32>
      %mul3A_363 = arith.constant 16 : i32
      %mul3A_364 = arith.muli %scan3A_25, %mul3A_363 : i32
      %add3A_365 = arith.constant 15 : i32
      %add3A_366 = arith.addi %mul3A_364, %add3A_365 : i32
      %dma_start3A_367 = arith.constant 0 : i32
      %dma_start3A_368 = tpu.memref_slice %arg9[%add3A_366, %dma_start3A_367] : memref<512x128xi32, #tpu.memory_space<vmem>> -> memref<1x128xi32, #tpu.memory_space<vmem>>
      %dma_start3A_369 = arith.constant 0 : i32
      %dma_start3A_370 = tpu.memref_slice %arg5[%reduce_sum3A_362, %dma_start3A_369] : memref<50000x128xi32, #tpu.memory_space<hbm>> -> memref<1x128xi32, #tpu.memory_space<hbm>>
      %dma_start3A_371 = arith.constant 0 : i32
      %dma_start3A_372 = tpu.memref_slice %arg9[%add3A_366, %dma_start3A_371] : memref<512x128xi32, #tpu.memory_space<vmem>> -> memref<1x128xi32, #tpu.memory_space<vmem>>
      %dma_start3A_373 = arith.constant 0 : i32
      %dma_start3A_374 = tpu.memref_slice %arg5[%reduce_sum3A_362, %dma_start3A_373] : memref<50000x128xi32, #tpu.memory_space<hbm>> -> memref<1x128xi32, #tpu.memory_space<hbm>>
      tpu.enqueue_dma source(%dma_start3A_374 : memref<1x128xi32, #tpu.memory_space<hbm>>) target(%dma_start3A_372 : memref<1x128xi32, #tpu.memory_space<vmem>>) target_semaphore(%arg10 : memref<!tpu.dma_semaphore, #tpu.memory_space<semaphore_mem>>)
    }
    %scan3A_18 = arith.constant 32 : i32
    %dma_wait3A_19 = arith.constant 0 : i32
    %dma_wait3A_20 = arith.constant 0 : i32
    %dma_wait3A_21 = tpu.memref_slice %arg5[%dma_wait3A_19, %dma_wait3A_20] : memref<50000x128xi32, #tpu.memory_space<hbm>> -> memref<512x128xi32, #tpu.memory_space<hbm>>
    %dma_wait3A_22 = arith.constant 0 : i32
    %dma_wait3A_23 = arith.constant 0 : i32
    %dma_wait3A_24 = tpu.memref_slice %arg5[%dma_wait3A_22, %dma_wait3A_23] : memref<50000x128xi32, #tpu.memory_space<hbm>> -> memref<512x128xi32, #tpu.memory_space<hbm>>
    tpu.wait_dma2 semaphore(%arg10 : memref<!tpu.dma_semaphore, #tpu.memory_space<semaphore_mem>>) src(%dma_wait3A_24 : memref<512x128xi32, #tpu.memory_space<hbm>>) dst(%arg9 : memref<512x128xi32, #tpu.memory_space<vmem>>)
    "tpu.region"() ({
      %run_scoped3A = tpu.sem_alloc : memref<!tpu.dma_semaphore, #tpu.memory_space<semaphore_mem>>
      %dma_start3A = arith.constant 0 : i32
      %dma_start3A_25 = tpu.memref_slice %arg7[%mul3A_2, %dma_start3A] : memref<16384x128xi32, #tpu.memory_space<hbm>> -> memref<512x128xi32, #tpu.memory_space<hbm>>
      %dma_start3A_26 = arith.constant 0 : i32
      %dma_start3A_27 = tpu.memref_slice %arg7[%mul3A_2, %dma_start3A_26] : memref<16384x128xi32, #tpu.memory_space<hbm>> -> memref<512x128xi32, #tpu.memory_space<hbm>>
      tpu.enqueue_dma source(%arg9 : memref<512x128xi32, #tpu.memory_space<vmem>>) target(%dma_start3A_27 : memref<512x128xi32, #tpu.memory_space<hbm>>) target_semaphore(%run_scoped3A : memref<!tpu.dma_semaphore, #tpu.memory_space<semaphore_mem>>)
      %dma_wait3A_28 = arith.constant 0 : i32
      %dma_wait3A_29 = tpu.memref_slice %arg7[%mul3A_2, %dma_wait3A_28] : memref<16384x128xi32, #tpu.memory_space<hbm>> -> memref<512x128xi32, #tpu.memory_space<hbm>>
      %dma_wait3A_30 = arith.constant 0 : i32
      %dma_wait3A_31 = tpu.memref_slice %arg7[%mul3A_2, %dma_wait3A_30] : memref<16384x128xi32, #tpu.memory_space<hbm>> -> memref<512x128xi32, #tpu.memory_space<hbm>>
      tpu.wait_dma2 semaphore(%run_scoped3A : memref<!tpu.dma_semaphore, #tpu.memory_space<semaphore_mem>>) src(%arg9 : memref<512x128xi32, #tpu.memory_space<vmem>>) dst(%dma_wait3A_31 : memref<512x128xi32, #tpu.memory_space<hbm>>)
      tpu.yield
    }) : () -> ()
    return
  }
}

module attributes {stable_mosaic.version = 14 : i64} {
  func.func @_proj_body(%arg0: i32, %arg1: memref<64x8192xf32, #tpu.memory_space<vmem>>, %arg2: memref<64x128xf32, #tpu.memory_space<vmem>>, %arg3: memref<4096x128xi32, #tpu.memory_space<vmem>>) attributes {dimension_semantics = [#tpu.dimension_semantics<arbitrary>], iteration_bounds = array<i64: 123>, scalar_prefetch = 0 : i64, scratch_operands = 0 : i64, tpu.core_type = #tpu.core_type<tc>, window_params = [{transform_indices = @transform_0, window_bounds = array<i64: 64, 8192>}, {pipeline_mode = #tpu.pipeline_mode<synchronous>, transform_indices = @transform_1, window_bounds = array<i64: 64, 128>}, {transform_indices = @transform_2, window_bounds = array<i64: 4096, 128>}]} {
    %get3A = arith.constant 0 : index
    %get3A_0 = arith.constant 0 : index
    %get3A_1 = vector.load %arg1[%get3A, %get3A_0] : memref<64x8192xf32, #tpu.memory_space<vmem>>, vector<64x8192xf32>
    %get3A_2 = arith.constant 0 : index
    %get3A_3 = arith.constant 0 : index
    %get3A_4 = vector.load %arg2[%get3A_2, %get3A_3] : memref<64x128xf32, #tpu.memory_space<vmem>>, vector<64x128xf32>
    %dot_general3A = arith.constant dense<0.000000e+00> : vector<8192x128xf32>
    %dot_general3A_5 = tpu.matmul %get3A_1, %get3A_4, %dot_general3A {dimension_numbers = #tpu.dot_dimension_numbers<[0], [0], [1], [1], [0, 1, 1, 1], [], []>, transpose_lhs_hint = false} : vector<64x8192xf32>, vector<64x128xf32>, vector<8192x128xf32> -> vector<8192x128xf32>
    %convert_element_type3A = arith.truncf %dot_general3A_5 : vector<8192x128xf32> to vector<8192x128xbf16>
    %bitcast3A = tpu.bitcast %convert_element_type3A : vector<8192x128xbf16> -> vector<4096x128xi32>
    %swap3A = arith.constant 0 : index
    %swap3A_6 = arith.constant 0 : index
    %swap3A_7 = vector.load %arg3[%swap3A, %swap3A_6] : memref<4096x128xi32, #tpu.memory_space<vmem>>, vector<4096x128xi32>
    tpu.vector_store %arg3[%swap3A, %swap3A_6], %bitcast3A {strides = array<i32>} : memref<4096x128xi32, #tpu.memory_space<vmem>>, vector<4096x128xi32>,
    return
  }
  func.func @transform_0(%arg0: i32) -> (i32, i32) {
    %c0_i32 = arith.constant 0 : i32
    %c0_i32_0 = arith.constant 0 : i32
    return %c0_i32, %arg0 : i32, i32
  }
  func.func @transform_1(%arg0: i32) -> (i32, i32) {
    %c0_i32 = arith.constant 0 : i32
    %c0_i32_0 = arith.constant 0 : i32
    %c0_i32_1 = arith.constant 0 : i32
    return %c0_i32, %c0_i32_0 : i32, i32
  }
  func.func @transform_2(%arg0: i32) -> (i32, i32) {
    %c0_i32 = arith.constant 0 : i32
    %c0_i32_0 = arith.constant 0 : i32
    return %arg0, %c0_i32 : i32, i32
  }
}

module attributes {stable_mosaic.version = 14 : i64} {
  func.func @_proj_body(%arg0: i32, %arg1: memref<64x8192xf32, #tpu.memory_space<vmem>>, %arg2: memref<64x128xf32, #tpu.memory_space<vmem>>, %arg3: memref<4096x128xi32, #tpu.memory_space<vmem>>) attributes {dimension_semantics = [#tpu.dimension_semantics<arbitrary>], iteration_bounds = array<i64: 13>, scalar_prefetch = 0 : i64, scratch_operands = 0 : i64, tpu.core_type = #tpu.core_type<tc>, window_params = [{transform_indices = @transform_0, window_bounds = array<i64: 64, 8192>}, {pipeline_mode = #tpu.pipeline_mode<synchronous>, transform_indices = @transform_1, window_bounds = array<i64: 64, 128>}, {transform_indices = @transform_2, window_bounds = array<i64: 4096, 128>}]} {
    %get3A = arith.constant 0 : index
    %get3A_0 = arith.constant 0 : index
    %get3A_1 = vector.load %arg1[%get3A, %get3A_0] : memref<64x8192xf32, #tpu.memory_space<vmem>>, vector<64x8192xf32>
    %get3A_2 = arith.constant 0 : index
    %get3A_3 = arith.constant 0 : index
    %get3A_4 = vector.load %arg2[%get3A_2, %get3A_3] : memref<64x128xf32, #tpu.memory_space<vmem>>, vector<64x128xf32>
    %dot_general3A = arith.constant dense<0.000000e+00> : vector<8192x128xf32>
    %dot_general3A_5 = tpu.matmul %get3A_1, %get3A_4, %dot_general3A {dimension_numbers = #tpu.dot_dimension_numbers<[0], [0], [1], [1], [0, 1, 1, 1], [], []>, transpose_lhs_hint = false} : vector<64x8192xf32>, vector<64x128xf32>, vector<8192x128xf32> -> vector<8192x128xf32>
    %convert_element_type3A = arith.truncf %dot_general3A_5 : vector<8192x128xf32> to vector<8192x128xbf16>
    %bitcast3A = tpu.bitcast %convert_element_type3A : vector<8192x128xbf16> -> vector<4096x128xi32>
    %swap3A = arith.constant 0 : index
    %swap3A_6 = arith.constant 0 : index
    %swap3A_7 = vector.load %arg3[%swap3A, %swap3A_6] : memref<4096x128xi32, #tpu.memory_space<vmem>>, vector<4096x128xi32>
    tpu.vector_store %arg3[%swap3A, %swap3A_6], %bitcast3A {strides = array<i32>} : memref<4096x128xi32, #tpu.memory_space<vmem>>, vector<4096x128xi32>,
    return
  }
  func.func @transform_0(%arg0: i32) -> (i32, i32) {
    %c0_i32 = arith.constant 0 : i32
    %c0_i32_0 = arith.constant 0 : i32
    return %c0_i32, %arg0 : i32, i32
  }
  func.func @transform_1(%arg0: i32) -> (i32, i32) {
    %c0_i32 = arith.constant 0 : i32
    %c0_i32_0 = arith.constant 0 : i32
    %c0_i32_1 = arith.constant 0 : i32
    return %c0_i32, %c0_i32_0 : i32, i32
  }
  func.func @transform_2(%arg0: i32) -> (i32, i32) {
    %c0_i32 = arith.constant 0 : i32
    %c0_i32_0 = arith.constant 0 : i32
    return %arg0, %c0_i32 : i32, i32
  }
}

module attributes {stable_mosaic.version = 14 : i64} {
  func.func @_mlp_body(%arg0: i32, %arg1: memref<512x128xi32, #tpu.memory_space<vmem>>, %arg2: memref<512x128xi32, #tpu.memory_space<vmem>>, %arg3: memref<512x1xi32, #tpu.memory_space<vmem>>, %arg4: memref<512x1xi32, #tpu.memory_space<vmem>>, %arg5: memref<512x1xi32, #tpu.memory_space<vmem>>, %arg6: memref<512x1xi32, #tpu.memory_space<vmem>>, %arg7: memref<100x32xf32, #tpu.memory_space<vmem>>, %arg8: memref<1000x32xf32, #tpu.memory_space<vmem>>, %arg9: memref<32x64xf32, #tpu.memory_space<vmem>>, %arg10: memref<32x64xf32, #tpu.memory_space<vmem>>, %arg11: memref<1x64xf32, #tpu.memory_space<vmem>>, %arg12: memref<64x128xf32, #tpu.memory_space<vmem>>, %arg13: memref<1x128xf32, #tpu.memory_space<vmem>>, %arg14: memref<128x64xf32, #tpu.memory_space<vmem>>, %arg15: memref<1x64xf32, #tpu.memory_space<vmem>>, %arg16: memref<64x1xf32, #tpu.memory_space<vmem>>, %arg17: memref<1x1xf32, #tpu.memory_space<vmem>>, %arg18: memref<512x1xf32, #tpu.memory_space<vmem>>) attributes {dimension_semantics = [#tpu.dimension_semantics<arbitrary>], iteration_bounds = array<i64: 32>, scalar_prefetch = 0 : i64, scratch_operands = 0 : i64, tpu.core_type = #tpu.core_type<tc>, window_params = [{transform_indices = @transform_0, window_bounds = array<i64: 512, 128>}, {transform_indices = @transform_1, window_bounds = array<i64: 512, 128>}, {transform_indices = @transform_2, window_bounds = array<i64: 512, 1>}, {transform_indices = @transform_3, window_bounds = array<i64: 512, 1>}, {transform_indices = @transform_4, window_bounds = array<i64: 512, 1>}, {transform_indices = @transform_5, window_bounds = array<i64: 512, 1>}, {pipeline_mode = #tpu.pipeline_mode<synchronous>, transform_indices = @transform_6, window_bounds = array<i64: 100, 32>}, {pipeline_mode = #tpu.pipeline_mode<synchronous>, transform_indices = @transform_7, window_bounds = array<i64: 1000, 32>}, {pipeline_mode = #tpu.pipeline_mode<synchronous>, transform_indices = @transform_8, window_bounds = array<i64: 32, 64>}, {pipeline_mode = #tpu.pipeline_mode<synchronous>, transform_indices = @transform_9, window_bounds = array<i64: 32, 64>}, {pipeline_mode = #tpu.pipeline_mode<synchronous>, transform_indices = @transform_10, window_bounds = array<i64: 1, 64>}, {pipeline_mode = #tpu.pipeline_mode<synchronous>, transform_indices = @transform_11, window_bounds = array<i64: 64, 128>}, {pipeline_mode = #tpu.pipeline_mode<synchronous>, transform_indices = @transform_12, window_bounds = array<i64: 1, 128>}, {pipeline_mode = #tpu.pipeline_mode<synchronous>, transform_indices = @transform_13, window_bounds = array<i64: 128, 64>}, {pipeline_mode = #tpu.pipeline_mode<synchronous>, transform_indices = @transform_14, window_bounds = array<i64: 1, 64>}, {pipeline_mode = #tpu.pipeline_mode<synchronous>, transform_indices = @transform_15, window_bounds = array<i64: 64, 1>}, {pipeline_mode = #tpu.pipeline_mode<synchronous>, transform_indices = @transform_16, window_bounds = array<i64: 1, 1>}, {transform_indices = @transform_17, window_bounds = array<i64: 512, 1>}]} {
    %get3A = arith.constant 0 : index
    %get3A_0 = arith.constant 0 : index
    %get3A_1 = vector.load %arg1[%get3A, %get3A_0] : memref<512x128xi32, #tpu.memory_space<vmem>>, vector<512x128xi32>
    %get3A_2 = arith.constant 0 : index
    %get3A_3 = arith.constant 0 : index
    %get3A_4 = vector.load %arg3[%get3A_2, %get3A_3] : memref<512x1xi32, #tpu.memory_space<vmem>>, vector<512x1xi32>
    %shift_left3A = arith.constant 16 : i32
    %shift_left3A_5 = vector.broadcast %shift_left3A : i32 to vector<512x128xi32>
    %shift_left3A_6 = arith.shli %get3A_1, %shift_left3A_5 : vector<512x128xi32>
    %bitcast_convert_type3A = tpu.bitcast %shift_left3A_6 : vector<512x128xi32> -> vector<512x128xf32>
    %and3A = arith.constant -65536 : i32
    %and3A_7 = vector.broadcast %and3A : i32 to vector<512x128xi32>
    %and3A_8 = arith.andi %get3A_1, %and3A_7 : vector<512x128xi32>
    %bitcast_convert_type3A_9 = tpu.bitcast %and3A_8 : vector<512x128xi32> -> vector<512x128xf32>
    %eq3A = arith.constant 0 : i32
    %eq3A_10 = vector.broadcast %eq3A : i32 to vector<512x1xi32>
    %eq3A_11 = arith.cmpi eq, %get3A_4, %eq3A_10 : vector<512x1xi32>
    %broadcast_in_dim3A = vector.shape_cast %eq3A_11 : vector<512x1xi1> to vector<512x1xi1>
    %broadcast_in_dim3A_12 = vector.broadcast %broadcast_in_dim3A : vector<512x1xi1> to vector<512x128xi1>
    %select_n3A = arith.select %broadcast_in_dim3A_12, %bitcast_convert_type3A, %bitcast_convert_type3A_9 : vector<512x128xi1>, vector<512x128xf32>
    %get3A_13 = arith.constant 0 : index
    %get3A_14 = arith.constant 0 : index
    %get3A_15 = vector.load %arg2[%get3A_13, %get3A_14] : memref<512x128xi32, #tpu.memory_space<vmem>>, vector<512x128xi32>
    %get3A_16 = arith.constant 0 : index
    %get3A_17 = arith.constant 0 : index
    %get3A_18 = vector.load %arg4[%get3A_16, %get3A_17] : memref<512x1xi32, #tpu.memory_space<vmem>>, vector<512x1xi32>
    %shift_left3A_19 = arith.constant 16 : i32
    %shift_left3A_20 = vector.broadcast %shift_left3A_19 : i32 to vector<512x128xi32>
    %shift_left3A_21 = arith.shli %get3A_15, %shift_left3A_20 : vector<512x128xi32>
    %bitcast_convert_type3A_22 = tpu.bitcast %shift_left3A_21 : vector<512x128xi32> -> vector<512x128xf32>
    %and3A_23 = arith.constant -65536 : i32
    %and3A_24 = vector.broadcast %and3A_23 : i32 to vector<512x128xi32>
    %and3A_25 = arith.andi %get3A_15, %and3A_24 : vector<512x128xi32>
    %bitcast_convert_type3A_26 = tpu.bitcast %and3A_25 : vector<512x128xi32> -> vector<512x128xf32>
    %eq3A_27 = arith.constant 0 : i32
    %eq3A_28 = vector.broadcast %eq3A_27 : i32 to vector<512x1xi32>
    %eq3A_29 = arith.cmpi eq, %get3A_18, %eq3A_28 : vector<512x1xi32>
    %broadcast_in_dim3A_30 = vector.shape_cast %eq3A_29 : vector<512x1xi1> to vector<512x1xi1>
    %broadcast_in_dim3A_31 = vector.broadcast %broadcast_in_dim3A_30 : vector<512x1xi1> to vector<512x128xi1>
    %select_n3A_32 = arith.select %broadcast_in_dim3A_31, %bitcast_convert_type3A_22, %bitcast_convert_type3A_26 : vector<512x128xi1>, vector<512x128xf32>
    %get3A_33 = arith.constant 0 : index
    %get3A_34 = arith.constant 0 : index
    %get3A_35 = vector.load %arg7[%get3A_33, %get3A_34] : memref<100x32xf32, #tpu.memory_space<vmem>>, vector<100x32xf32>
    %get3A_36 = arith.constant 0 : index
    %get3A_37 = arith.constant 0 : index
    %get3A_38 = vector.load %arg9[%get3A_36, %get3A_37] : memref<32x64xf32, #tpu.memory_space<vmem>>, vector<32x64xf32>
    %dot_general3A = arith.constant dense<0.000000e+00> : vector<100x64xf32>
    %dot_general3A_39 = tpu.matmul %get3A_35, %get3A_38, %dot_general3A {dimension_numbers = #tpu.dot_dimension_numbers<[1], [0], [0], [1], [0, 0, 1, 1], [], []>, transpose_lhs_hint = false} : vector<100x32xf32>, vector<32x64xf32>, vector<100x64xf32> -> vector<100x64xf32>
    %get3A_40 = arith.constant 0 : index
    %get3A_41 = arith.constant 0 : index
    %get3A_42 = vector.load %arg8[%get3A_40, %get3A_41] : memref<1000x32xf32, #tpu.memory_space<vmem>>, vector<1000x32xf32>
    %get3A_43 = arith.constant 0 : index
    %get3A_44 = arith.constant 0 : index
    %get3A_45 = vector.load %arg10[%get3A_43, %get3A_44] : memref<32x64xf32, #tpu.memory_space<vmem>>, vector<32x64xf32>
    %dot_general3A_46 = arith.constant dense<0.000000e+00> : vector<1000x64xf32>
    %dot_general3A_47 = tpu.matmul %get3A_42, %get3A_45, %dot_general3A_46 {dimension_numbers = #tpu.dot_dimension_numbers<[1], [0], [0], [1], [0, 0, 1, 1], [], []>, transpose_lhs_hint = false} : vector<1000x32xf32>, vector<32x64xf32>, vector<1000x64xf32> -> vector<1000x64xf32>
    %get3A_48 = arith.constant 0 : index
    %get3A_49 = arith.constant 0 : index
    %get3A_50 = vector.load %arg5[%get3A_48, %get3A_49] : memref<512x1xi32, #tpu.memory_space<vmem>>, vector<512x1xi32>
    %iota3A = tpu.iota {dimensions = array<i32: 1>} : vector<1x100xi32>
    %eq3A_51 = vector.broadcast %get3A_50 : vector<512x1xi32> to vector<512x100xi32>
    %eq3A_52 = vector.broadcast %iota3A : vector<1x100xi32> to vector<512x100xi32>
    %eq3A_53 = arith.cmpi eq, %eq3A_51, %eq3A_52 : vector<512x100xi32>
    %convert_element_type3A = arith.extui %eq3A_53 : vector<512x100xi1> to vector<512x100xi32>
    %convert_element_type3A_54 = arith.sitofp %convert_element_type3A : vector<512x100xi32> to vector<512x100xf32>
    %get3A_55 = arith.constant 0 : index
    %get3A_56 = arith.constant 0 : index
    %get3A_57 = vector.load %arg6[%get3A_55, %get3A_56] : memref<512x1xi32, #tpu.memory_space<vmem>>, vector<512x1xi32>
    %iota3A_58 = tpu.iota {dimensions = array<i32: 1>} : vector<1x1000xi32>
    %eq3A_59 = vector.broadcast %get3A_57 : vector<512x1xi32> to vector<512x1000xi32>
    %eq3A_60 = vector.broadcast %iota3A_58 : vector<1x1000xi32> to vector<512x1000xi32>
    %eq3A_61 = arith.cmpi eq, %eq3A_59, %eq3A_60 : vector<512x1000xi32>
    %convert_element_type3A_62 = arith.extui %eq3A_61 : vector<512x1000xi1> to vector<512x1000xi32>
    %convert_element_type3A_63 = arith.sitofp %convert_element_type3A_62 : vector<512x1000xi32> to vector<512x1000xf32>
    %slice3A = vector.extract_strided_slice %select_n3A_32 {offsets = [0, 0], sizes = [512, 64], strides = [1, 1]} : vector<512x128xf32> to vector<512x64xf32>
    %dot_general3A_64 = arith.constant dense<0.000000e+00> : vector<512x64xf32>
    %dot_general3A_65 = tpu.matmul %convert_element_type3A_54, %dot_general3A_39, %dot_general3A_64 {dimension_numbers = #tpu.dot_dimension_numbers<[1], [0], [0], [1], [0, 0, 1, 1], [], []>, transpose_lhs_hint = false} : vector<512x100xf32>, vector<100x64xf32>, vector<512x64xf32> -> vector<512x64xf32>
    %add3A = arith.addf %slice3A, %dot_general3A_65 : vector<512x64xf32>
    %dot_general3A_66 = arith.constant dense<0.000000e+00> : vector<512x64xf32>
    %dot_general3A_67 = tpu.matmul %convert_element_type3A_63, %dot_general3A_47, %dot_general3A_66 {dimension_numbers = #tpu.dot_dimension_numbers<[1], [0], [0], [1], [0, 0, 1, 1], [], []>, transpose_lhs_hint = false} : vector<512x1000xf32>, vector<1000x64xf32>, vector<512x64xf32> -> vector<512x64xf32>
    %add3A_68 = arith.addf %add3A, %dot_general3A_67 : vector<512x64xf32>
    %get3A_69 = arith.constant 0 : index
    %get3A_70 = arith.constant 0 : index
    %get3A_71 = vector.load %arg11[%get3A_69, %get3A_70] : memref<1x64xf32, #tpu.memory_space<vmem>>, vector<1x64xf32>
    %add3A_72 = vector.broadcast %get3A_71 : vector<1x64xf32> to vector<512x64xf32>
    %add3A_73 = arith.addf %add3A_68, %add3A_72 : vector<512x64xf32>
    %max3A = arith.constant 0.000000e+00 : f32
    %max3A_74 = vector.broadcast %max3A : f32 to vector<512x64xf32>
    %max3A_75 = arith.maximumf %add3A_73, %max3A_74 : vector<512x64xf32>
    %get3A_76 = arith.constant 0 : index
    %get3A_77 = arith.constant 0 : index
    %get3A_78 = vector.load %arg12[%get3A_76, %get3A_77] : memref<64x128xf32, #tpu.memory_space<vmem>>, vector<64x128xf32>
    %dot_general3A_79 = arith.constant dense<0.000000e+00> : vector<512x128xf32>
    %dot_general3A_80 = tpu.matmul %max3A_75, %get3A_78, %dot_general3A_79 {dimension_numbers = #tpu.dot_dimension_numbers<[1], [0], [0], [1], [0, 0, 1, 1], [], []>, transpose_lhs_hint = false} : vector<512x64xf32>, vector<64x128xf32>, vector<512x128xf32> -> vector<512x128xf32>
    %add3A_81 = arith.addf %select_n3A, %dot_general3A_80 : vector<512x128xf32>
    %get3A_82 = arith.constant 0 : index
    %get3A_83 = arith.constant 0 : index
    %get3A_84 = vector.load %arg13[%get3A_82, %get3A_83] : memref<1x128xf32, #tpu.memory_space<vmem>>, vector<1x128xf32>
    %add3A_85 = vector.broadcast %get3A_84 : vector<1x128xf32> to vector<512x128xf32>
    %add3A_86 = arith.addf %add3A_81, %add3A_85 : vector<512x128xf32>
    %max3A_87 = arith.constant 0.000000e+00 : f32
    %max3A_88 = vector.broadcast %max3A_87 : f32 to vector<512x128xf32>
    %max3A_89 = arith.maximumf %add3A_86, %max3A_88 : vector<512x128xf32>
    %get3A_90 = arith.constant 0 : index
    %get3A_91 = arith.constant 0 : index
    %get3A_92 = vector.load %arg14[%get3A_90, %get3A_91] : memref<128x64xf32, #tpu.memory_space<vmem>>, vector<128x64xf32>
    %dot_general3A_93 = arith.constant dense<0.000000e+00> : vector<512x64xf32>
    %dot_general3A_94 = tpu.matmul %max3A_89, %get3A_92, %dot_general3A_93 {dimension_numbers = #tpu.dot_dimension_numbers<[1], [0], [0], [1], [0, 0, 1, 1], [], []>, transpose_lhs_hint = false} : vector<512x128xf32>, vector<128x64xf32>, vector<512x64xf32> -> vector<512x64xf32>
    %get3A_95 = arith.constant 0 : index
    %get3A_96 = arith.constant 0 : index
    %get3A_97 = vector.load %arg15[%get3A_95, %get3A_96] : memref<1x64xf32, #tpu.memory_space<vmem>>, vector<1x64xf32>
    %add3A_98 = vector.broadcast %get3A_97 : vector<1x64xf32> to vector<512x64xf32>
    %add3A_99 = arith.addf %dot_general3A_94, %add3A_98 : vector<512x64xf32>
    %max3A_100 = arith.constant 0.000000e+00 : f32
    %max3A_101 = vector.broadcast %max3A_100 : f32 to vector<512x64xf32>
    %max3A_102 = arith.maximumf %add3A_99, %max3A_101 : vector<512x64xf32>
    %get3A_103 = arith.constant 0 : index
    %get3A_104 = arith.constant 0 : index
    %get3A_105 = vector.load %arg16[%get3A_103, %get3A_104] : memref<64x1xf32, #tpu.memory_space<vmem>>, vector<64x1xf32>
    %dot_general3A_106 = arith.constant dense<0.000000e+00> : vector<512x1xf32>
    %dot_general3A_107 = tpu.matmul %max3A_102, %get3A_105, %dot_general3A_106 {dimension_numbers = #tpu.dot_dimension_numbers<[1], [0], [0], [1], [0, 0, 1, 1], [], []>, transpose_lhs_hint = false} : vector<512x64xf32>, vector<64x1xf32>, vector<512x1xf32> -> vector<512x1xf32>
    %get3A_108 = arith.constant 0 : index
    %get3A_109 = arith.constant 0 : index
    %get3A_110 = vector.load %arg17[%get3A_108, %get3A_109] : memref<1x1xf32, #tpu.memory_space<vmem>>, vector<1x1xf32>
    %add3A_111 = vector.broadcast %get3A_110 : vector<1x1xf32> to vector<512x1xf32>
    %add3A_112 = arith.addf %dot_general3A_107, %add3A_111 : vector<512x1xf32>
    %swap3A = arith.constant 0 : index
    %swap3A_113 = arith.constant 0 : index
    %swap3A_114 = vector.load %arg18[%swap3A, %swap3A_113] : memref<512x1xf32, #tpu.memory_space<vmem>>, vector<512x1xf32>
    tpu.vector_store %arg18[%swap3A, %swap3A_113], %add3A_112 {strides = array<i32>} : memref<512x1xf32, #tpu.memory_space<vmem>>, vector<512x1xf32>,
    return
  }
  func.func @transform_0(%arg0: i32) -> (i32, i32) {
    %c0_i32 = arith.constant 0 : i32
    %c0_i32_0 = arith.constant 0 : i32
    return %arg0, %c0_i32 : i32, i32
  }
  func.func @transform_1(%arg0: i32) -> (i32, i32) {
    %c0_i32 = arith.constant 0 : i32
    %c0_i32_0 = arith.constant 0 : i32
    return %arg0, %c0_i32 : i32, i32
  }
  func.func @transform_2(%arg0: i32) -> (i32, i32) {
    %c0_i32 = arith.constant 0 : i32
    %c0_i32_0 = arith.constant 0 : i32
    return %arg0, %c0_i32 : i32, i32
  }
  func.func @transform_3(%arg0: i32) -> (i32, i32) {
    %c0_i32 = arith.constant 0 : i32
    %c0_i32_0 = arith.constant 0 : i32
    return %arg0, %c0_i32 : i32, i32
  }
  func.func @transform_4(%arg0: i32) -> (i32, i32) {
    %c0_i32 = arith.constant 0 : i32
    %c0_i32_0 = arith.constant 0 : i32
    return %arg0, %c0_i32 : i32, i32
  }
  func.func @transform_5(%arg0: i32) -> (i32, i32) {
    %c0_i32 = arith.constant 0 : i32
    %c0_i32_0 = arith.constant 0 : i32
    return %arg0, %c0_i32 : i32, i32
  }
  func.func @transform_6(%arg0: i32) -> (i32, i32) {
    %c0_i32 = arith.constant 0 : i32
    %c0_i32_0 = arith.constant 0 : i32
    %c0_i32_1 = arith.constant 0 : i32
    return %c0_i32, %c0_i32_0 : i32, i32
  }
  func.func @transform_7(%arg0: i32) -> (i32, i32) {
    %c0_i32 = arith.constant 0 : i32
    %c0_i32_0 = arith.constant 0 : i32
    %c0_i32_1 = arith.constant 0 : i32
    return %c0_i32, %c0_i32_0 : i32, i32
  }
  func.func @transform_8(%arg0: i32) -> (i32, i32) {
    %c0_i32 = arith.constant 0 : i32
    %c0_i32_0 = arith.constant 0 : i32
    %c0_i32_1 = arith.constant 0 : i32
    return %c0_i32, %c0_i32_0 : i32, i32
  }
  func.func @transform_9(%arg0: i32) -> (i32, i32) {
    %c0_i32 = arith.constant 0 : i32
    %c0_i32_0 = arith.constant 0 : i32
    %c0_i32_1 = arith.constant 0 : i32
    return %c0_i32, %c0_i32_0 : i32, i32
  }
  func.func @transform_10(%arg0: i32) -> (i32, i32) {
    %c0_i32 = arith.constant 0 : i32
    %c0_i32_0 = arith.constant 0 : i32
    %c0_i32_1 = arith.constant 0 : i32
    return %c0_i32, %c0_i32_0 : i32, i32
  }
  func.func @transform_11(%arg0: i32) -> (i32, i32) {
    %c0_i32 = arith.constant 0 : i32
    %c0_i32_0 = arith.constant 0 : i32
    %c0_i32_1 = arith.constant 0 : i32
    return %c0_i32, %c0_i32_0 : i32, i32
  }
  func.func @transform_12(%arg0: i32) -> (i32, i32) {
    %c0_i32 = arith.constant 0 : i32
    %c0_i32_0 = arith.constant 0 : i32
    %c0_i32_1 = arith.constant 0 : i32
    return %c0_i32, %c0_i32_0 : i32, i32
  }
  func.func @transform_13(%arg0: i32) -> (i32, i32) {
    %c0_i32 = arith.constant 0 : i32
    %c0_i32_0 = arith.constant 0 : i32
    %c0_i32_1 = arith.constant 0 : i32
    return %c0_i32, %c0_i32_0 : i32, i32
  }
  func.func @transform_14(%arg0: i32) -> (i32, i32) {
    %c0_i32 = arith.constant 0 : i32
    %c0_i32_0 = arith.constant 0 : i32
    %c0_i32_1 = arith.constant 0 : i32
    return %c0_i32, %c0_i32_0 : i32, i32
  }
  func.func @transform_15(%arg0: i32) -> (i32, i32) {
    %c0_i32 = arith.constant 0 : i32
    %c0_i32_0 = arith.constant 0 : i32
    %c0_i32_1 = arith.constant 0 : i32
    return %c0_i32, %c0_i32_0 : i32, i32
  }
  func.func @transform_16(%arg0: i32) -> (i32, i32) {
    %c0_i32 = arith.constant 0 : i32
    %c0_i32_0 = arith.constant 0 : i32
    %c0_i32_1 = arith.constant 0 : i32
    return %c0_i32, %c0_i32_0 : i32, i32
  }
  func.func @transform_17(%arg0: i32) -> (i32, i32) {
    %c0_i32 = arith.constant 0 : i32
    %c0_i32_0 = arith.constant 0 : i32
    return %arg0, %c0_i32 : i32, i32
  }
}

</mosaic_0001>

<sc_bundles>
// kernel: kernel.6.cloned.1.call-start
scs
__scs_entry_jumppad:
0x0: {  	(pc) =	sbr.rel $0x88, $3  }
0x1: {  	(tag) =	ssettag $0x0;
	lr =	simm.s32 $0x1  }
0x2: {  	[smem:$0x3F91] =	sst lr;
	_ =	strace $0xD0000000  }
0x3: {  	_ = 	snop  }
0x4: {  	_ = 	snop  }
0x5: {  	_ = 	snop  }
0x6: {  	_ = 	snop  }
0x7: {  	_ = 	snop  }
__scs_overlays_trampoline_lowered:
0x8: {  	[smem:$0x3FA0] =	sst s0  }
0x9: {  	[smem:$0x3FA1] =	sst s1  }
0xa: {  	[smem:$0x3FA2] =	sst s2  }
0xb: {  	[smem:$0x3FA3] =	sst s3  }
0xc: {  	[smem:$0x3FA4] =	sst s4  }
0xd: {  	[smem:$0x3FA5] =	sst s5  }
0xe: {  	[smem:$0x3FA6] =	sst s6  }
0xf: {  	[smem:$0x3FA7] =	sst s7  }
0x10: {  	[smem:$0x3FA8] =	sst s8  }
0x11: {  	[smem:$0x3FA9] =	sst s9;
	s0 =	simm.s32 @!p0 $0x0  }
0x12: {  	s1 =	sld [smem:$0x3F8F];
	s0 =	simm.s32 @p0 $0x1  }
0x13: {  	[smem:$0x3FAA] =	sst s0;
	s0 =	simm.s32 @!p1 $0x0  }
0x14: {  	s2 =	sld [smem:$0x3F8E];
	s0 =	simm.s32 @p1 $0x1  }
0x15: {  	[smem:$0x3FAB] =	sst s0;
	s0 =	simm.s32 @!p2 $0x0  }
0x16: {  	s3 =	sld [smem:$0x3FDB];
	s0 =	simm.s32 @p2 $0x1  }
0x17: {  	s4 =	simm.s32 $0x1BF5;
	[smem:$0x3FAD] =	sst s0  }
0x18: {  	s0 =	sld [smem:$0x3F90];
	_ =	swait.ge [sflag:s4], $0x0  }
0x19: {  	s7 =	sld [smem:$0x3F91]  }
0x1a: {  	s8 =	sadd.s32 $0xFFFFE003, lr  }
0x1b: {  	s9 =	sadd.s32 $0xFFFFFEF7, lr;
	s5 =	simm.s32 $0xFFFFFFFF;
	p2 =	slt.u32 s8, $0xFFFFF086  }
0x1c: {  	p1 =	slt.u32 s9, $0xF7A;
	s5 =	simm.s32 @!p2 $0x0  }
0x1d: {  	s5 =	simm.s32 @p1 $0x1;
	p0 =	seq.s32 s7, s2  }
0x1e: {  	s7 =	smul.u32 @!p0 $0xF7A, s2;
	p2 =	seq.s32 @!p0 s5, $0x0  }
0x1f: {  	s9 =	smul.u32 $0xF7A, s1;
	s8 =	simm.s32 @!p0 $0x1BF5;
	p2 =	por !p2, p0  }
0x20: {  	[sflag:s8] =	ssyncset.s32 @!p0 $0xFFFFF086;
	s6 =	sadd.s32 @!p0 s3, s7;
	s7 =	simm.s32 @!p0 $0x108  }
0x21: {  	s3 =	sadd.s32 s3, s9;
	s6 =	sadd.s32 @!p0 $0x88, s6;
	s7 =	simm.s32 @p2 $0x1082  }
0x22: {  	[simem:s7], [sflag:s8] =	dma.local @!p0 [hbm:s6], $0xF7A  }
0x23: {  	s9 =	sor.u32 $0xD0000000, s2;
	s6 =	simm.s32 $0x108;
	_ =	swait.ge @!p0 [sflag:s8], $0x0  }
0x24: {  	s3 =	sadd.s32 $0x88, s3;
	s6 =	simm.s32 @!p1 $0x1082;
	[sflag:s4] =	ssyncset.s32 $0xFFFFF086  }
0x25: {  	[simem:s6], [sflag:s4] =	dma.local [hbm:s3], $0xF7A  }
0x26: {  	[smem:$0x3F91] =	sst s1;
	(tag) =	ssettag s2;
	_ =	strace s9  }
0x27: {  	s1 =	sld [smem:$0x3FA1]  }
0x28: {  	s2 =	sld [smem:$0x3FA2]  }
0x29: {  	s4 =	sld [smem:$0x3FA4]  }
0x2a: {  	p0 =	seq.s32 s5, $0x0;
	s5 =	sld [smem:$0x3FA5]  }
0x2b: {  	s6 =	sld [smem:$0x3FA6]  }
0x2c: {  	s7 =	sld [smem:$0x3FA7]  }
0x2d: {  	s3 =	simm.s32 $0x108;
	s8 =	sld [smem:$0x3FA8]  }
0x2e: {  	s3 =	simm.s32 @!p0 $0x1082;
	s9 =	sld [smem:$0x3FA9]  }
0x2f: {  	lr =	sadd.s32 s0, s3;
	s0 =	sld [smem:$0x3FA0]  }
0x30: {  	s3 =	sld [smem:$0x3FA3]  }
0x31: {  	[smem:$0x3FAC] =	sst s10  }
0x32: {  	s10 =	sld [smem:$0x3FAA];
	_ =	sdelay $0x3  }
0x33: {  	p0 =	seq.s32 s10, $0x1;
	s10 =	sld [smem:$0x3FAC];
	_ =	sdelay $0x3  }
0x34: {  	[smem:$0x3FAC] =	sst s10  }
0x35: {  	s10 =	sld [smem:$0x3FAB];
	_ =	sdelay $0x3  }
0x36: {  	p1 =	seq.s32 s10, $0x1;
	s10 =	sld [smem:$0x3FAC];
	_ =	sdelay $0x3  }
0x37: {  	[smem:$0x3FAC] =	sst s10  }
0x38: {  	s10 =	sld [smem:$0x3FAD]  }
0x39: {  	_ = 	snop;
	(pc) =	sbr.ind lr, $3  }
0x3a: {  	_ = 	snop  }
0x3b: {  	_ = 	snop  }
0x3c: {  	p2 =	seq.s32 s10, $0x1;
	s10 =	sld [smem:$0x3FAC]  }
0x3d: {  	_ =	shalt  }
0x3e: {  	_ =	shalt  }
0x3f: {  	_ =	shalt  }
0x40: {  	_ =	shalt  }
0x41: {  	_ =	shalt  }
0x42: {  	_ =	shalt  }
0x43: {  	_ =	shalt  }
0x44: {  	_ =	shalt  }
0x45: {  	_ =	shalt  }
0x46: {  	_ =	shalt  }
0x47: {  	_ =	shalt  }
0x48: {  	_ =	shalt  }
0x49: {  	_ =	shalt  }
0x4a: {  	_ =	shalt  }
0x4b: {  	_ =	shalt  }
0x4c: {  	_ =	shalt  }
0x4d: {  	_ =	shalt  }
0x4e: {  	_ =	shalt  }
0x4f: {  	_ =	shalt  }
0x50: {  	_ =	shalt  }
0x51: {  	_ =	shalt  }
0x52: {  	_ =	shalt  }
0x53: {  	_ =	shalt  }
0x54: {  	_ =	shalt  }
0x55: {  	_ =	shalt  }
0x56: {  	_ =	shalt  }
0x57: {  	_ =	shalt  }
0x58: {  	_ =	shalt  }
0x59: {  	_ =	shalt  }
0x5a: {  	_ =	shalt  }
0x5b: {  	_ =	shalt  }
0x5c: {  	_ =	shalt  }
0x5d: {  	_ =	shalt  }
0x5e: {  	_ =	shalt  }
0x5f: {  	_ =	shalt  }
0x60: {  	_ =	shalt  }
0x61: {  	_ =	shalt  }
0x62: {  	_ =	shalt  }
0x63: {  	_ =	shalt  }
0x64: {  	_ =	shalt  }
0x65: {  	_ =	shalt  }
0x66: {  	_ =	shalt  }
0x67: {  	_ =	shalt  }
0x68: {  	_ =	shalt  }
0x69: {  	_ =	shalt  }
0x6a: {  	_ =	shalt  }
0x6b: {  	_ =	shalt  }
0x6c: {  	_ =	shalt  }
0x6d: {  	_ =	shalt  }
0x6e: {  	_ =	shalt  }
0x6f: {  	_ =	shalt  }
0x70: {  	_ =	shalt  }
0x71: {  	_ =	shalt  }
0x72: {  	_ =	shalt  }
0x73: {  	_ =	shalt  }
0x74: {  	_ =	shalt  }
0x75: {  	_ =	shalt  }
0x76: {  	_ =	shalt  }
0x77: {  	_ =	shalt  }
0x78: {  	_ =	shalt  }
0x79: {  	_ =	shalt  }
0x7a: {  	_ =	shalt  }
0x7b: {  	_ =	shalt  }
0x7c: {  	_ =	shalt  }
0x7d: {  	_ =	shalt  }
0x7e: {  	_ =	shalt  }
0x7f: {  	_ =	shalt  }
0x80: {  	_ =	shalt  }
0x81: {  	_ =	shalt  }
0x82: {  	_ =	shalt  }
0x83: {  	_ =	shalt  }
0x84: {  	_ =	shalt  }
0x85: {  	_ =	shalt  }
0x86: {  	_ =	shalt  }
0x87: {  	_ =	shalt  }
.Lfunc_end0:
.L_simem_size_0:
called_computation_lowered:
.L_overlay_start_0:
0x88: {  	s2 =	sld [smem:$0x3FD9]  }
0x89: {  	s3 =	sld [smem:$0x3FFE];
	_ =	sdelay $0x1  }
0x8a: {  	s1 =	srdreg.scid  }
0x8b: {  	s0 =	sand.u32 $0x1, s1  }
0x8c: {  	s16 =	sshll.u32 s0, $0xA;
	s2 =	sadd.s32 s3, s2  }
0x8d: {  	s2 =	sadd.s32 s2, s16  }
0x8e: {  	[smem:$0x3FB8] =	sst s2  }
0x8f: {  	_ = 	snop  }
0x90: {  	(tm) =	ssettm $0x1  }
0x91: {  	s17 =	sld [smem:$0x3FFB];
	_ =	sdelay $0x3  }
0x92: {  	_ =	strace s17  }
0x93: {  	s2 =	sld [smem:$0x3FFC];
	_ =	sdelay $0x3  }
0x94: {  	_ =	strace s2  }
0x95: {  	s2 =	sld [smem:$0x3FFD];
	_ =	sdelay $0x3  }
0x96: {  	_ =	strace s2  }
0x97: {  	_ =	strace $0x8FFFFFFF  }
0x98: {  	s18 =	sld [smem:$0x3FDB];
	_ =	sdelay $0x1  }
0x99: {  	s19 =	simm.s32 $_scs_section_size  }
0x9a: {  	s4 =	simm.s32 $_size__tile_overlayer_lowered;
	s5 =	simm.s32 $_tile_overlayer_lowered  }
0x9b: {  	s22 =	simm.s32 $0x1BFF;
	s21 =	sshll.u32 s5, $0x1;
	s2 =	sadd.s32 s19, s18  }
0x9c: {  	s6 =	simm.s32 $0x0;
	s20 =	sshll.u32 s4, $0x1;
	s4 =	sadd.s32 s21, s2  }
0x9d: {  	[timem:s6], [sflag:s22] =	dma.local [hbm:s4], s20  }
0x9e: {  	_ =	swait.ge [sflag:s22], s20  }
0x9f: {  	s3 =	ssub.s32 $0x0, s20;
	[sflag:s22] =	ssyncset.done $0x0  }
0xa0: {  	[sflag:s22] =	ssyncadd.s32 s3;
	_ =	sdelay $0x1  }
0xa1: {  	s23 =	simm.s32 $0x1B8B  }
0xa2: {  	_ =	swait.ge [sflag:s23], $0x1  }
0xa3: {  	[sflag:s23] =	ssyncset.done $0x0  }
0xa4: {  	s25 =	simm.s32 $0x1B8E;
	s24 =	sld [smem:$0x3FFE];
	[sflag:s23] =	ssyncadd.s32 $0xFFFFFFFF  }
0xa5: {  	s26 =	simm.s32 $execute0_lowered;
	[smem:$0x3FD2] =	sst s25  }
0xa6: {  	s4 =	sshll.u32 s26, $0x1;
	_ =	strace $0x80000046;
	[dreg:$0x1] =	wrdreg $0xFFFFFFFF  }
0xa7: {  	s28 =	simm.s32 $_size_execute0_lowered;
	s2 =	sadd.s32 s2, s4;
	[dreg:$0x0] =	wrdreg $0x0  }
0xa8: {  	s4 =	sshll.u32 s28, $0x1;
	[dreg:$0x2] =	wrdreg s2  }
0xa9: {  	[dreg:$0x3] =	wrdreg s4  }
0xaa: {  	[dreg:$0x4] =	wrdreg $0xC0  }
0xab: {  	_ =	task [dreg:s6], $0x5FFFF  }
0xac: {  	[dreg:$0x1] =	wrdreg $0xFFFFFFFF  }
0xad: {  	[dreg:$0x0] =	wrdreg $0x60  }
0xae: {  	[dreg:$0x2] =	wrdreg s24  }
0xaf: {  	[dreg:$0x3] =	wrdreg $0x9  }
0xb0: {  	_ =	task.clear_ibuf [dreg:s6], $0x4FFFF;
	_ =	strace $0x90000046  }
0xb1: {  	s29 =	simm.s32 $0x9;
	_ =	strace $0x80000048  }
0xb2: {  	_ =	swait.ge [sflag:s29], $0x1  }
0xb3: {  	[sflag:s29] =	ssyncadd.s32 $0xFFFFFFFF  }
0xb4: {  	_ =	strace $0x90000048  }
0xb5: {  	_ =	sfence  }
0xb6: {  	s30 =	sld [smem:$0x0];
	_ =	sdelay $0x2  }
0xb7: {  	s31 =	sshll.u32 s1, $0xD;
	s1 =	sshrl.u32 s1, $0x2  }
0xb8: {  	s3 =	sand.u32 $0x4000, s31;
	s1 =	sadd.s32 s1, s30  }
0xb9: {  	s0 =	sor.u32 s3, s0;
	s1 =	sshll.u32 s1, $0x11  }
0xba: {  	s0 =	sor.u32 s1, s0  }
0xbb: {  	s0 =	sadd.s32 $0x8F2B, s0  }
0xbc: {  	[sflag:s0] =	ssyncadd.remote.s32 $0x1  }
0xbd: {  	_ =	sfence.sel $0xFFFF  }
0xbe: {  	[dreg:$0x0] =	wrdreg $0xFFFFFFFF;
	(pc) =	sbr.abs _section_cstart, $3  }
0xbf: {  	[dreg:$0x1] =	wrdreg $0xFFFFFFFF  }
0xc0: {  	_ =	task.clear_ibuf [dreg:s6], $0x2FFFF;
	_ =	strace $0x9FFFFFFF  }
0xc1: {  	(tm) =	ssettm $0x7FFFFFFF  }
tec
execute0_lowered:
.L_overlay_start_1:
0x0: {  	(tag) =	ssettag $0x1  }
0x1: {  	s0 =	srdreg.scid  }
0x2: {  	s5 =	stileid.u32;
	s1 =	rddreg [dreg:$0x0];
	s2 =	simm.s32 $0x0  }
0x3: {  	s12 =	simm.s32 $0x2;
	s0 =	sand.u32 $0x1, s0;
	s3 =	smul.u32 $0x7D000, s5  }
0x4: {  	s13 =	simm.s32 $0x1;
	s25 =	smul.u32 $0x3E8, s5;
	s4 =	sshll.u32 s0, $0x7  }
0x5: {  	s14 =	simm.s32 $0x200;
	[smem:$0x7FF] =	sst s2;
	s3 =	sor.u32 s4, s3  }
0x6: {  	_ =	strace $0x80000047;
	s4 =	sor.u32 s0, s25;
	s3 =	sshrl.u32 s3, $0x3  }
0x7: {  	vm0 =	vmmov $0x1;
	s26 =	sshll.u32 s4, $0xD;
	s4 =	sadd.s32 $0x7A5A00, s1;
	s7 =	sadd.s32 s3, s1  }
0x8: {  	vm1 =	vcmask $0x308;
	vm2 =	vcmask $0x70C;
	vm3 =	vcmask $0xB10;
	s3 =	sadd.s32 $0x4800, s1;
	s1 =	sadd.s32 s26, s1;
	s29 =	sadd.s32 $0x3000, s7  }
0x9: {  	vm4 =	vcmask $0xF14;
	vm5 =	vcmask $0x1318;
	vm6 =	vcmask $0x171C;
	s0 =	ssub.s32 $0x2, s0;
	s30 =	sadd.s32 $0x869000, s1;
	[dreg:$0x2] =	wrdreg s29  }
0xa: {  	vm7 =	vcmask $0x1B20;
	vm8 =	vcmask $0x1F24;
	vm9 =	vcmask $0x2328;
	s28 =	sshrl.u32 s0, $0x1;
	s31 =	sadd.s32 $0x4000, s7;
	[dreg:$0x3] =	wrdreg s30  }
0xb: {  	vm10 =	vcmask $0x272C;
	vm11 =	vcmask $0x2B30;
	vm12 =	vcmask $0x2F34;
	s0 =	ssub.s32 s0, s28;
	s1 =	sadd.s32 $0x8A9000, s1;
	[dreg:$0x4] =	wrdreg s31  }
0xc: {  	vm13 =	vcmask $0x3338;
	vm14 =	vcmask $0x373C;
	vm15 =	vmmov $0x7fff;
	s15 =	simm.s32 $0x0;
	s9 =	smax.u32 s0, $0x1;
	[dreg:$0x5] =	wrdreg s1  }
.LBB2_1:
0xd: {  	s0 =	rddreg [dreg:$0x2];
	s1 =	simm.s32 $0x80;
	s5 =	simm.s32 $0x400  }
0xe: {  	[tilespmem:s2], [sflag:$0x2] =	stream.strided.gather [hbm4b:s0+s1], $0x200, s5, s1, $0x38;
	[tilespmem:$0x10200] =	vst v63  }
0xf: {  	_ =	swait.ge [sflag:s12], $0x200  }
0x10: {  	[sflag:s12] =	ssyncset.done $0x0  }
0x11: {  	[sflag:s12] =	ssyncadd.s32 $0xFFFFFE00  }
0x12: {  	v0 =	vld [tilespmem:s2+$0x0];
	_ =	sdelay $0x4  }
0x13: {  	v1 =	vnsel vm0, $0x0, v0  }
0x14: {  	v2 =	vsel vm2, $0x0, v0;
	(xrf0) =	vadd.scan.msk.s32 $0xffff, v1  }
0x15: {  	v40 =	vsel vm3, $0x0, v0;
	(xrf0) =	vadd.scan.msk.s32 $0xffff, v2  }
0x16: {  	v41 =	vsel vm1, $0x0, v0;
	(xrf0) =	vadd.scan.msk.s32 $0xffff, v40  }
0x17: {  	(xrf0) =	vadd.scan.msk.s32 $0xffff, v41;
	_ =	sdelay $0x2  }
0x18: {  	v42, _, _ =	vpop (xrf0)  }
0x19: {  	v43 =	vsel vm8, $0x0, v0;
	(v2sf) =	vpush v42, $0xF;
	v44, _, _ =	vpop (xrf0)  }
0x1a: {  	v3 =	vsel vm9, $0x0, v0;
	(xrf0) =	vadd.scan.msk.s32 $0xffff, v43;
	(v2sf) =	vpush v44, $0xF;
	v45, _, _ =	vpop (xrf0)  }
0x1b: {  	v46 =	vsel vm5, $0x0, v0;
	(xrf0) =	vadd.scan.msk.s32 $0xffff, v3;
	v47, _, _ =	vpop (xrf0);
	(v2sf) =	vpush v45, $0xF  }
0x1c: {  	v48 =	vsel vm4, $0x0, v0;
	(xrf0) =	vadd.scan.msk.s32 $0xffff, v46;
	(v2sf) =	vpush v47, $0xF  }
0x1d: {  	(xrf0) =	vadd.scan.msk.s32 $0xffff, v48;
	_ =	sdelay $0x1  }
0x1e: {  	v49 =	vsel vm10, $0x0, v0  }
0x1f: {  	v50 =	vsel vm11, $0x0, v0;
	(xrf0) =	vadd.scan.msk.s32 $0xffff, v49;
	v51, _, _ =	vpop (xrf0)  }
0x20: {  	v52 =	vsel vm12, $0x0, v0;
	(xrf0) =	vadd.scan.msk.s32 $0xffff, v50;
	v53, _, _ =	vpop (xrf0)  }
0x21: {  	v4 =	vsel vm13, $0x0, v0;
	(xrf0) =	vadd.scan.msk.s32 $0xffff, v52;
	(v2sf) =	vpush v51, $0xF;
	v54, _, _ =	vpop (xrf0)  }
0x22: {  	v55 =	vsel vm14, $0x0, v0;
	(xrf0) =	vadd.scan.msk.s32 $0xffff, v4;
	v56, _, _ =	vpop (xrf0)  }
0x23: {  	v5 =	vsel vm6, $0x0, v0;
	(xrf0) =	vadd.scan.msk.s32 $0xffff, v55;
	(v2sf) =	vpush v56, $0xF  }
0x24: {  	v57 =	vsel vm7, $0x0, v0;
	(xrf0) =	vadd.scan.msk.s32 $0xffff, v5  }
0x25: {  	s16 =	simm.s32 $0x2000;
	s17 =	simm.s32 $0x0;
	s6 =	simm.s32 $0x300;
	(xrf0) =	vadd.scan.msk.s32 $0xffff, v57;
	v58, _, _ =	vpop (xrf0);
	(v2sf) =	vpush v54, $0xF  }
0x26: {  	s7 =	simm.s32 $0x400;
	s21 =	simm.s32 $0x580;
	s18 =	simm.s32 $0x200;
	v59, _, _ =	vpop (xrf0)  }
0x27: {  	s25 =	simm.s32 $0x280;
	s22 =	simm.s32 $0x500;
	(v2sf) =	vpush v58, $0xF;
	v60, _, _ =	vpop (xrf0);
	s19 =	spop (v2sf)  }
0x28: {  	s26 =	simm.s32 $0x480;
	v61, _, _ =	vpop (xrf0);
	s19 =	sshll.u32 s19, $0x4;
	s28 =	spop (v2sf)  }
0x29: {  	s20 =	simm.s32 $0x800;
	v62, _, _ =	vpop (xrf0);
	(v2sf) =	vpush v53, $0xF;
	s23 =	sand.u32 $0x1FFFFFF0, s19;
	s29 =	spop (v2sf)  }
0x2a: {  	s24 =	simm.s32 $0x700;
	v63, _, _ =	vpop (xrf0);
	s23 =	sadd.s32 s3, s23;
	s30 =	spop (v2sf)  }
0x2b: {  	v6, _, _ =	vpop (xrf0);
	(v2sf) =	vpush v63, $0xF;
	[tilespmem:s18], [sflag:$0x1] =	stream.linear.gather [hbm4b:s23+s2], $0x80, $0x38;
	[tilespmem:$0x10200] =	vst v63  }
0x2c: {  	s19 =	simm.s32 $0x880;
	(v2sf) =	vpush v6, $0xF;
	s28 =	sshll.u32 s28, $0x4;
	s30 =	sshll.u32 s30, $0x4  }
0x2d: {  	s28 =	sand.u32 $0x1FFFFFF0, s28;
	s29 =	sshll.u32 s29, $0x4;
	s30 =	sand.u32 $0x1FFFFFF0, s30  }
0x2e: {  	(v2sf) =	vpush v59, $0xF;
	s18 =	simm.s32 $0x10;
	s23 =	simm.s32 $0x780;
	s30 =	sadd.s32 s3, s30  }
0x2f: {  	[tilespmem:s25], [sflag:$0x1] =	stream.linear.gather [hbm4b:s30+s2], $0x80, $0x38;
	[tilespmem:$0x10200] =	vst v63  }
0x30: {  	s8 =	sand.u32 $0x1FFFFFF0, s29;
	s28 =	sadd.s32 s3, s28;
	s30 =	spop (v2sf)  }
0x31: {  	v0 =	vsel vm15, $0x0, v0;
	[tilespmem:s6], [sflag:$0x1] =	stream.linear.gather [hbm4b:s28+s2], $0x80, $0x38;
	[tilespmem:$0x10200] =	vst v63  }
0x32: {  	(xrf0) =	vadd.scan.msk.s32 $0xffff, v0;
	(v2sf) =	vpush v60, $0xF;
	s25 =	sadd.s32 s3, s8;
	s28 =	simm.s32 $0x380;
	s10 =	spop (v2sf)  }
0x33: {  	[tilespmem:s28], [sflag:$0x1] =	stream.linear.gather [hbm4b:s25+s2], $0x80, $0x38;
	[tilespmem:$0x10200] =	vst v63  }
0x34: {  	(v2sf) =	vpush v61, $0xF;
	s11 =	sshll.u32 s30, $0x4;
	s0 =	sshll.u32 s10, $0x4;
	s28 =	spop (v2sf)  }
0x35: {  	s30 =	simm.s32 $0x600;
	s0 =	sand.u32 $0x1FFFFFF0, s0;
	s28 =	sshll.u32 s28, $0x4  }
0x36: {  	s10 =	spop (v2sf);
	s28 =	sand.u32 $0x1FFFFFF0, s28;
	s0 =	sadd.s32 s3, s0  }
0x37: {  	[tilespmem:s7], [sflag:$0x1] =	stream.linear.gather [hbm4b:s0+s2], $0x80, $0x38;
	[tilespmem:$0x10200] =	vst v63  }
0x38: {  	s31 =	sand.u32 $0x1FFFFFF0, s11;
	s6 =	sadd.s32 s3, s28;
	s5 =	spop (v2sf);
	(v2sf) =	vpush v62, $0xF  }
0x39: {  	v0, _, _ =	vpop (xrf0);
	[tilespmem:s26], [sflag:$0x1] =	stream.linear.gather [hbm4b:s6+s2], $0x80, $0x38;
	[tilespmem:$0x10200] =	vst v63  }
0x3a: {  	s25 =	simm.s32 $0x680;
	s7 =	sshll.u32 s10, $0x4;
	s8 =	spop (v2sf);
	(v2sf) =	vpush v0, $0xF  }
0x3b: {  	s1 =	sand.u32 $0x1FFFFFF0, s7;
	s10 =	sshll.u32 s8, $0x4;
	s11 =	spop (v2sf)  }
0x3c: {  	s28 =	sshll.u32 s5, $0x4;
	s26 =	sand.u32 $0x1FFFFFF0, s10;
	s0 =	sshll.u32 s11, $0x4  }
.LBB2_2:
0x3d: {  	s10 =	sadd.s32 s3, s26;
	s0 =	sand.u32 $0x1FFFFFF0, s0;
	s26 =	spop (v2sf)  }
0x3e: {  	[tilespmem:s22], [sflag:$0x1] =	stream.linear.gather [hbm4b:s10+s2], $0x80, $0x38;
	[tilespmem:$0x10200] =	vst v63  }
0x3f: {  	s0 =	sadd.s32 s3, s0;
	s10 =	sand.u32 $0x1FFFFFF0, s28;
	s22 =	sshll.u32 s26, $0x4  }
0x40: {  	[tilespmem:s21], [sflag:$0x1] =	stream.linear.gather [hbm4b:s0+s2], $0x80, $0x38;
	[tilespmem:$0x10200] =	vst v63  }
0x41: {  	s0 =	sadd.s32 s3, s31;
	s21 =	sand.u32 $0x1FFFFFF0, s22;
	s22 =	spop (v2sf)  }
0x42: {  	[tilespmem:s30], [sflag:$0x1] =	stream.linear.gather [hbm4b:s0+s2], $0x80, $0x38;
	[tilespmem:$0x10200] =	vst v63  }
0x43: {  	s0 =	sadd.s32 s3, s10;
	s10 =	sshll.u32 s22, $0x4;
	s22 =	spop (v2sf)  }
0x44: {  	[tilespmem:s25], [sflag:$0x1] =	stream.linear.gather [hbm4b:s0+s2], $0x80, $0x38;
	[tilespmem:$0x10200] =	vst v63  }
0x45: {  	s0 =	sadd.s32 s3, s1;
	s1 =	sand.u32 $0x1FFFFFF0, s10;
	s10 =	sshll.u32 s22, $0x4  }
0x46: {  	[tilespmem:s24], [sflag:$0x1] =	stream.linear.gather [hbm4b:s0+s2], $0x80, $0x38;
	[tilespmem:$0x10200] =	vst v63  }
0x47: {  	s10 =	sand.u32 $0x1FFFFFF0, s10;
	s0 =	sadd.s32 s3, s21;
	s21 =	spop (v2sf)  }
0x48: {  	[tilespmem:s23], [sflag:$0x1] =	stream.linear.gather [hbm4b:s0+s2], $0x80, $0x38;
	[tilespmem:$0x10200] =	vst v63  }
0x49: {  	s0 =	sadd.s32 s3, s1;
	s1 =	sshll.u32 s21, $0x4;
	s21 =	spop (v2sf)  }
0x4a: {  	[tilespmem:s20], [sflag:$0x1] =	stream.linear.gather [hbm4b:s0+s2], $0x80, $0x38;
	[tilespmem:$0x10200] =	vst v63  }
0x4b: {  	s1 =	sand.u32 $0x1FFFFFF0, s1;
	s0 =	sadd.s32 s3, s10;
	s10 =	sshll.u32 s21, $0x4  }
0x4c: {  	[tilespmem:s19], [sflag:$0x1] =	stream.linear.gather [hbm4b:s0+s2], $0x80, $0x38;
	[tilespmem:$0x10200] =	vst v63  }
0x4d: {  	s1 =	sadd.s32 s3, s1;
	s10 =	sand.u32 $0x1FFFFFF0, s10;
	s0 =	sadd.s32 $0x900, s17  }
0x4e: {  	[tilespmem:s0], [sflag:$0x1] =	stream.linear.gather [hbm4b:s1+s2], $0x80, $0x38;
	[tilespmem:$0x10200] =	vst v63  }
0x4f: {  	p0 =	sne.s32 s16, $0x3E000;
	s0 =	sadd.s32 $0x980, s17;
	s1 =	sadd.s32 s3, s10  }
0x50: {  	[tilespmem:s0], [sflag:$0x1] =	stream.linear.gather [hbm4b:s1+s2], $0x80, $0x38;
	[tilespmem:$0x10200] =	vst v63  }
0x51: {  	s0 =	smov.u32 s16;
	s16 =	sadd.s32 $0x2000, s16;
	v0 =	vld [tilespmem:s18+$0x0];
	_ =	sdelay $0x4  }
0x52: {  	v1 =	vnsel vm0, $0x0, v0;
	v2 =	vsel vm3, $0x0, v0;
	v3 =	vsel vm14, $0x0, v0  }
0x53: {  	v4 =	vsel vm2, $0x0, v0;
	v5 =	vsel vm15, $0x0, v0;
	(xrf0) =	vadd.scan.msk.s32 $0xffff, v1  }
0x54: {  	v6 =	vsel vm6, $0x0, v0;
	v1 =	vsel vm1, $0x0, v0;
	(xrf0) =	vadd.scan.msk.s32 $0xffff, v4  }
0x55: {  	v4 =	vsel vm7, $0x0, v0;
	(xrf0) =	vadd.scan.msk.s32 $0xffff, v2  }
0x56: {  	v2 =	vsel vm8, $0x0, v0;
	(xrf0) =	vadd.scan.msk.s32 $0xffff, v1  }
0x57: {  	v1 =	vsel vm9, $0x0, v0;
	(xrf0) =	vadd.scan.msk.s32 $0xffff, v2  }
0x58: {  	v2 =	vsel vm5, $0x0, v0;
	(xrf0) =	vadd.scan.msk.s32 $0xffff, v1  }
0x59: {  	v1 =	vsel vm4, $0x0, v0;
	v7, _, _ =	vpop (xrf0);
	(xrf0) =	vadd.scan.msk.s32 $0xffff, v2  }
0x5a: {  	v2 =	vsel vm10, $0x0, v0;
	(v2sf) =	vpush v7, $0xF;
	v7, _, _ =	vpop (xrf0);
	(xrf0) =	vadd.scan.msk.s32 $0xffff, v1  }
0x5b: {  	v9 =	vsel vm11, $0x0, v0;
	(v2sf) =	vpush v7, $0xF;
	v7, _, _ =	vpop (xrf0);
	(xrf0) =	vadd.scan.msk.s32 $0xffff, v2  }
0x5c: {  	s17 =	sshra.s32 s0, $0x2;
	v2 =	vsel vm12, $0x0, v0;
	v8, _, _ =	vpop (xrf0);
	(v2sf) =	vpush v7, $0xF;
	(xrf0) =	vadd.scan.msk.s32 $0xffff, v9  }
0x5d: {  	s28 =	sadd.s32 $0x300, s17;
	v7 =	vsel vm13, $0x0, v0;
	(v2sf) =	vpush v8, $0xF;
	v1, _, _ =	vpop (xrf0);
	(xrf0) =	vadd.scan.msk.s32 $0xffff, v2  }
0x5e: {  	s26 =	sadd.s32 $0x400, s17;
	s21 =	sadd.s32 $0x580, s17;
	(v2sf) =	vpush v1, $0xF;
	v1, _, _ =	vpop (xrf0);
	(xrf0) =	vadd.scan.msk.s32 $0xffff, v7  }
0x5f: {  	s0 =	sadd.s32 $0x200, s17;
	s1 =	sadd.s32 $0x280, s17;
	v0, _, _ =	vpop (xrf0);
	(xrf0) =	vadd.scan.msk.s32 $0xffff, v3  }
0x60: {  	s22 =	sadd.s32 $0x500, s17;
	v2, _, _ =	vpop (xrf0);
	(xrf0) =	vadd.scan.msk.s32 $0xffff, v6  }
0x61: {  	s29 =	sadd.s32 $0x480, s17;
	(v2sf) =	vpush v2, $0xF;
	(xrf0) =	vadd.scan.msk.s32 $0xffff, v4;
	v2, _, _ =	vpop (xrf0)  }
0x62: {  	(v2sf) =	vpush v0, $0xF;
	v0, _, _ =	vpop (xrf0);
	(xrf0) =	vadd.scan.msk.s32 $0xffff, v5  }
0x63: {  	(v2sf) =	vpush v2, $0xF;
	v2, _, _ =	vpop (xrf0)  }
0x64: {  	v3, _, _ =	vpop (xrf0)  }
0x65: {  	v4, _, _ =	vpop (xrf0)  }
0x66: {  	v5, _, _ =	vpop (xrf0);
	(v2sf) =	vpush v1, $0xF  }
0x67: {  	v1, _, _ =	vpop (xrf0)  }
0x68: {  	s18 =	sadd.s32 $0x10, s18;
	s20 =	sadd.s32 $0x800, s17;
	s19 =	sadd.s32 $0x880, s17;
	(v2sf) =	vpush v5, $0xF;
	v5, _, _ =	vpop (xrf0)  }
0x69: {  	s24 =	sadd.s32 $0x700, s17;
	s23 =	sadd.s32 $0x780, s17;
	s10 =	spop (v2sf)  }
0x6a: {  	s25 =	sadd.s32 $0x680, s17;
	s10 =	sshll.u32 s10, $0x4;
	s30 =	spop (v2sf);
	(v2sf) =	vpush v1, $0xF  }
0x6b: {  	s10 =	sand.u32 $0x1FFFFFF0, s10;
	s30 =	sshll.u32 s30, $0x4;
	s31 =	spop (v2sf)  }
0x6c: {  	s10 =	sadd.s32 s3, s10;
	s11 =	sand.u32 $0x1FFFFFF0, s30;
	s30 =	spop (v2sf)  }
0x6d: {  	s31 =	sshll.u32 s31, $0x4;
	s30 =	sshll.u32 s30, $0x4;
	s5 =	spop (v2sf)  }
0x6e: {  	s7 =	sand.u32 $0x1FFFFFF0, s31;
	s6 =	sand.u32 $0x1FFFFFF0, s30;
	s5 =	sshll.u32 s5, $0x4;
	(v2sf) =	vpush v0, $0xF  }
0x6f: {  	[tilespmem:s0], [sflag:$0x1] =	stream.linear.gather [hbm4b:s10+s2], $0x80, $0x38;
	[tilespmem:$0x10200] =	vst v63  }
0x70: {  	s30 =	sadd.s32 $0x600, s17;
	s31 =	sand.u32 $0x1FFFFFF0, s5;
	s0 =	spop (v2sf)  }
0x71: {  	s5 =	sadd.s32 $0x380, s17;
	s0 =	sshll.u32 s0, $0x4;
	s10 =	spop (v2sf)  }
0x72: {  	s0 =	sand.u32 $0x1FFFFFF0, s0;
	s10 =	sshll.u32 s10, $0x4;
	s8 =	spop (v2sf);
	(v2sf) =	vpush v2, $0xF  }
0x73: {  	s6 =	sadd.s32 s3, s6;
	s10 =	sand.u32 $0x1FFFFFF0, s10;
	s8 =	sshll.u32 s8, $0x4  }
0x74: {  	[tilespmem:s1], [sflag:$0x1] =	stream.linear.gather [hbm4b:s6+s2], $0x80, $0x38;
	(v2sf) =	vpush v3, $0xF;
	[tilespmem:$0x10200] =	vst v63  }
0x75: {  	s6 =	sadd.s32 s3, s11;
	s1 =	sand.u32 $0x1FFFFFF0, s8;
	s8 =	spop (v2sf)  }
0x76: {  	[tilespmem:s28], [sflag:$0x1] =	stream.linear.gather [hbm4b:s6+s2], $0x80, $0x38;
	[tilespmem:$0x10200] =	vst v63  }
0x77: {  	s6 =	sadd.s32 s3, s7;
	s28 =	sshll.u32 s8, $0x4;
	s7 =	spop (v2sf)  }
0x78: {  	[tilespmem:s5], [sflag:$0x1] =	stream.linear.gather [hbm4b:s6+s2], $0x80, $0x38;
	[tilespmem:$0x10200] =	vst v63  }
.Ltmp0:
0x79: {  	(v2sf) =	vpush v4, $0xF;
	(pc) =	sbr.rel @p0 .LBB2_2-.Ltmp0, $4  }
0x7a: {  	s0 =	sadd.s32 s3, s0;
	s5 =	sshll.u32 s7, $0x4;
	s6 =	spop (v2sf)  }
0x7b: {  	[tilespmem:s26], [sflag:$0x1] =	stream.linear.gather [hbm4b:s0+s2], $0x80, $0x38;
	(v2sf) =	vpush v5, $0xF;
	[tilespmem:$0x10200] =	vst v63  }
0x7c: {  	s7 =	sadd.s32 s3, s10;
	s26 =	sand.u32 $0x1FFFFFF0, s5;
	s0 =	sshll.u32 s6, $0x4  }
0x7d: {  	[tilespmem:s29], [sflag:$0x1] =	stream.linear.gather [hbm4b:s7+s2], $0x80, $0x38;
	[tilespmem:$0x10200] =	vst v63  }
0x7e: {  	s5 =	sadd.s32 s3, s26;
	s0 =	sand.u32 $0x1FFFFFF0, s0;
	s6 =	spop (v2sf)  }
0x7f: {  	[tilespmem:s22], [sflag:$0x1] =	stream.linear.gather [hbm4b:s5+s2], $0x80, $0x38;
	[tilespmem:$0x10200] =	vst v63  }
0x80: {  	s8 =	sand.u32 $0x1FFFFFF0, s28;
	s10 =	sadd.s32 s3, s31;
	s0 =	sadd.s32 s3, s0  }
0x81: {  	[tilespmem:s21], [sflag:$0x1] =	stream.linear.gather [hbm4b:s0+s2], $0x80, $0x38;
	[tilespmem:$0x10200] =	vst v63  }
0x82: {  	s6 =	sshll.u32 s6, $0x4;
	s11 =	sadd.s32 s3, s8;
	s7 =	spop (v2sf)  }
0x83: {  	[tilespmem:s30], [sflag:$0x1] =	stream.linear.gather [hbm4b:s10+s2], $0x80, $0x38;
	[tilespmem:$0x10200] =	vst v63  }
0x84: {  	s6 =	sand.u32 $0x1FFFFFF0, s6;
	s21 =	sadd.s32 s3, s1;
	s16 =	sshll.u32 s7, $0x4  }
0x85: {  	[tilespmem:s25], [sflag:$0x1] =	stream.linear.gather [hbm4b:s11+s2], $0x80, $0x38;
	[tilespmem:$0x10200] =	vst v63  }
0x86: {  	s26 =	sadd.s32 s3, s6;
	s18 =	spop (v2sf);
	s22 =	sand.u32 $0x1FFFFFF0, s16  }
0x87: {  	[tilespmem:s24], [sflag:$0x1] =	stream.linear.gather [hbm4b:s21+s2], $0x80, $0x38;
	[tilespmem:$0x10200] =	vst v63  }
0x88: {  	s1 =	sadd.s32 s3, s22;
	s25 =	sshll.u32 s18, $0x4;
	s29 =	spop (v2sf)  }
0x89: {  	[tilespmem:s23], [sflag:$0x1] =	stream.linear.gather [hbm4b:s26+s2], $0x80, $0x38;
	[tilespmem:$0x10200] =	vst v63  }
0x8a: {  	s5 =	sand.u32 $0x1FFFFFF0, s25;
	s7 =	sshll.u32 s29, $0x4;
	s8 =	spop (v2sf)  }
0x8b: {  	[tilespmem:s20], [sflag:$0x1] =	stream.linear.gather [hbm4b:s1+s2], $0x80, $0x38;
	[tilespmem:$0x10200] =	vst v63  }
0x8c: {  	s10 =	sadd.s32 s3, s5;
	s1 =	sand.u32 $0x1FFFFFF0, s7;
	s11 =	sshll.u32 s8, $0x4  }
0x8d: {  	[tilespmem:s19], [sflag:$0x1] =	stream.linear.gather [hbm4b:s10+s2], $0x80, $0x38;
	[tilespmem:$0x10200] =	vst v63  }
0x8e: {  	s16 =	sadd.s32 $0x900, s17;
	s1 =	sadd.s32 s3, s1;
	s5 =	sand.u32 $0x1FFFFFF0, s11  }
0x8f: {  	[tilespmem:s16], [sflag:$0x1] =	stream.linear.gather [hbm4b:s1+s2], $0x80, $0x38;
	[tilespmem:$0x10200] =	vst v63  }
0x90: {  	s18 =	sadd.s32 $0x980, s17;
	s19 =	sadd.s32 s3, s5  }
0x91: {  	[tilespmem:s18], [sflag:$0x1] =	stream.linear.gather [hbm4b:s19+s2], $0x80, $0x38;
	[tilespmem:$0x10200] =	vst v63  }
0x92: {  	_ =	swait.ge [sflag:s13], $0x10000  }
0x93: {  	[sflag:s13] =	ssyncset.done $0x0  }
0x94: {  	s20 =	simm.s32 $0x0;
	s21 =	rddreg [dreg:$0x3];
	[sflag:s13] =	ssyncadd.s32 $0xFFFF0000  }
0x95: {  	[hbm4b:s21+s20] =	stream.linear.scatter [tilespmem:s14], [sflag:$0x2], $0x10000, $0x38;
	[tilespmem:$0x10200] =	vst v63  }
0x96: {  	_ =	swait.ge [sflag:s12], $0x10000  }
0x97: {  	s24 =	simm.s32 $0x400;
	[sflag:s12] =	ssyncset.done $0x0  }
0x98: {  	s23 =	simm.s32 $0x80;
	s22 =	rddreg [dreg:$0x4];
	[sflag:s12] =	ssyncadd.s32 $0xFFFF0000  }
0x99: {  	[tilespmem:s20], [sflag:$0x2] =	stream.strided.gather [hbm4b:s22+s23], $0x200, s24, s23, $0x38;
	[tilespmem:$0x10200] =	vst v63  }
0x9a: {  	_ =	swait.ge [sflag:s12], $0x200  }
0x9b: {  	[sflag:s12] =	ssyncset.done $0x0  }
0x9c: {  	[sflag:s12] =	ssyncadd.s32 $0xFFFFFE00  }
0x9d: {  	v0 =	vld [tilespmem:s20+$0x0];
	_ =	sdelay $0x4  }
0x9e: {  	v1 =	vnsel vm0, $0x0, v0  }
0x9f: {  	v2 =	vsel vm2, $0x0, v0;
	(xrf0) =	vadd.scan.msk.s32 $0xffff, v1  }
0xa0: {  	v40 =	vsel vm3, $0x0, v0;
	(xrf0) =	vadd.scan.msk.s32 $0xffff, v2  }
0xa1: {  	v41 =	vsel vm1, $0x0, v0;
	(xrf0) =	vadd.scan.msk.s32 $0xffff, v40  }
0xa2: {  	(xrf0) =	vadd.scan.msk.s32 $0xffff, v41;
	_ =	sdelay $0x2  }
0xa3: {  	v42, _, _ =	vpop (xrf0)  }
0xa4: {  	v43 =	vsel vm8, $0x0, v0;
	(v2sf) =	vpush v42, $0xF;
	v44, _, _ =	vpop (xrf0)  }
0xa5: {  	v3 =	vsel vm9, $0x0, v0;
	(xrf0) =	vadd.scan.msk.s32 $0xffff, v43;
	(v2sf) =	vpush v44, $0xF;
	v45, _, _ =	vpop (xrf0)  }
0xa6: {  	v46 =	vsel vm5, $0x0, v0;
	(xrf0) =	vadd.scan.msk.s32 $0xffff, v3;
	v47, _, _ =	vpop (xrf0);
	(v2sf) =	vpush v45, $0xF  }
0xa7: {  	v48 =	vsel vm4, $0x0, v0;
	(xrf0) =	vadd.scan.msk.s32 $0xffff, v46;
	(v2sf) =	vpush v47, $0xF  }
0xa8: {  	(xrf0) =	vadd.scan.msk.s32 $0xffff, v48;
	_ =	sdelay $0x1  }
0xa9: {  	v49 =	vsel vm10, $0x0, v0  }
0xaa: {  	v50 =	vsel vm11, $0x0, v0;
	(xrf0) =	vadd.scan.msk.s32 $0xffff, v49;
	v51, _, _ =	vpop (xrf0)  }
0xab: {  	v52 =	vsel vm12, $0x0, v0;
	(xrf0) =	vadd.scan.msk.s32 $0xffff, v50;
	v53, _, _ =	vpop (xrf0)  }
0xac: {  	v4 =	vsel vm13, $0x0, v0;
	(xrf0) =	vadd.scan.msk.s32 $0xffff, v52;
	(v2sf) =	vpush v51, $0xF;
	v54, _, _ =	vpop (xrf0)  }
0xad: {  	v55 =	vsel vm14, $0x0, v0;
	(xrf0) =	vadd.scan.msk.s32 $0xffff, v4;
	v56, _, _ =	vpop (xrf0)  }
0xae: {  	v5 =	vsel vm6, $0x0, v0;
	(xrf0) =	vadd.scan.msk.s32 $0xffff, v55;
	(v2sf) =	vpush v56, $0xF  }
0xaf: {  	v57 =	vsel vm7, $0x0, v0;
	(xrf0) =	vadd.scan.msk.s32 $0xffff, v5  }
0xb0: {  	s0 =	simm.s32 $0x300;
	s6 =	simm.s32 $0x280;
	s30 =	simm.s32 $0x600;
	(xrf0) =	vadd.scan.msk.s32 $0xffff, v57;
	v58, _, _ =	vpop (xrf0);
	(v2sf) =	vpush v54, $0xF  }
0xb1: {  	s17 =	simm.s32 $0x0;
	s25 =	simm.s32 $0x200;
	s8 =	simm.s32 $0x480;
	v59, _, _ =	vpop (xrf0)  }
0xb2: {  	s16 =	simm.s32 $0x2000;
	s1 =	simm.s32 $0x400;
	(v2sf) =	vpush v58, $0xF;
	v60, _, _ =	vpop (xrf0);
	s26 =	spop (v2sf)  }
0xb3: {  	s19 =	simm.s32 $0x880;
	v61, _, _ =	vpop (xrf0);
	s7 =	sshll.u32 s26, $0x4;
	s10 =	spop (v2sf)  }
0xb4: {  	s18 =	simm.s32 $0x10;
	(v2sf) =	vpush v53, $0xF;
	v62, _, _ =	vpop (xrf0);
	s7 =	sand.u32 $0x1FFFFFF0, s7;
	s11 =	spop (v2sf)  }
0xb5: {  	s21 =	simm.s32 $0x580;
	v63, _, _ =	vpop (xrf0);
	s7 =	sadd.s32 s4, s7;
	s29 =	spop (v2sf)  }
0xb6: {  	v6, _, _ =	vpop (xrf0);
	(v2sf) =	vpush v63, $0xF;
	[tilespmem:s25], [sflag:$0x1] =	stream.linear.gather [hbm4b:s7+s2], $0x80, $0x38;
	[tilespmem:$0x10200] =	vst v63  }
0xb7: {  	s22 =	simm.s32 $0x500;
	s24 =	simm.s32 $0x700;
	(v2sf) =	vpush v6, $0xF;
	s7 =	sshll.u32 s29, $0x4  }
0xb8: {  	s23 =	simm.s32 $0x780;
	s25 =	sshll.u32 s10, $0x4;
	s5 =	sand.u32 $0x1FFFFFF0, s7  }
0xb9: {  	s26 =	sshll.u32 s11, $0x4;
	(v2sf) =	vpush v59, $0xF;
	s7 =	sand.u32 $0x1FFFFFF0, s25;
	s5 =	sadd.s32 s4, s5  }
0xba: {  	[tilespmem:s6], [sflag:$0x1] =	stream.linear.gather [hbm4b:s5+s2], $0x80, $0x38;
	[tilespmem:$0x10200] =	vst v63  }
0xbb: {  	s10 =	sand.u32 $0x1FFFFFF0, s26;
	s7 =	sadd.s32 s4, s7;
	s29 =	spop (v2sf)  }
0xbc: {  	v0 =	vsel vm15, $0x0, v0;
	[tilespmem:s0], [sflag:$0x1] =	stream.linear.gather [hbm4b:s7+s2], $0x80, $0x38;
	[tilespmem:$0x10200] =	vst v63  }
0xbd: {  	(xrf0) =	vadd.scan.msk.s32 $0xffff, v0;
	s25 =	simm.s32 $0x380;
	(v2sf) =	vpush v60, $0xF;
	s6 =	sadd.s32 s4, s10;
	s11 =	spop (v2sf)  }
0xbe: {  	[tilespmem:s25], [sflag:$0x1] =	stream.linear.gather [hbm4b:s6+s2], $0x80, $0x38;
	[tilespmem:$0x10200] =	vst v63  }
0xbf: {  	s20 =	simm.s32 $0x800;
	(v2sf) =	vpush v61, $0xF;
	s0 =	sshll.u32 s11, $0x4;
	s26 =	spop (v2sf)  }
0xc0: {  	s5 =	sshll.u32 s29, $0x4;
	s0 =	sand.u32 $0x1FFFFFF0, s0;
	s6 =	sshll.u32 s26, $0x4  }
0xc1: {  	s29 =	spop (v2sf);
	s6 =	sand.u32 $0x1FFFFFF0, s6;
	s0 =	sadd.s32 s4, s0  }
0xc2: {  	[tilespmem:s1], [sflag:$0x1] =	stream.linear.gather [hbm4b:s0+s2], $0x80, $0x38;
	[tilespmem:$0x10200] =	vst v63  }
0xc3: {  	s31 =	sand.u32 $0x1FFFFFF0, s5;
	s0 =	spop (v2sf);
	s10 =	sadd.s32 s4, s6;
	(v2sf) =	vpush v62, $0xF  }
0xc4: {  	v0, _, _ =	vpop (xrf0);
	[tilespmem:s8], [sflag:$0x1] =	stream.linear.gather [hbm4b:s10+s2], $0x80, $0x38;
	[tilespmem:$0x10200] =	vst v63  }
0xc5: {  	s25 =	simm.s32 $0x680;
	s11 =	sshll.u32 s29, $0x4;
	s26 =	spop (v2sf);
	(v2sf) =	vpush v0, $0xF  }
0xc6: {  	s1 =	sand.u32 $0x1FFFFFF0, s11;
	s5 =	sshll.u32 s26, $0x4;
	s29 =	spop (v2sf)  }
0xc7: {  	s28 =	sshll.u32 s0, $0x4;
	s0 =	sand.u32 $0x1FFFFFF0, s5;
	s26 =	sshll.u32 s29, $0x4  }
.LBB2_4:
0xc8: {  	s0 =	sadd.s32 s4, s0;
	s5 =	sand.u32 $0x1FFFFFF0, s26;
	s6 =	spop (v2sf)  }
0xc9: {  	[tilespmem:s22], [sflag:$0x1] =	stream.linear.gather [hbm4b:s0+s2], $0x80, $0x38;
	[tilespmem:$0x10200] =	vst v63  }
0xca: {  	s0 =	sadd.s32 s4, s5;
	s5 =	sand.u32 $0x1FFFFFF0, s28;
	s6 =	sshll.u32 s6, $0x4  }
0xcb: {  	[tilespmem:s21], [sflag:$0x1] =	stream.linear.gather [hbm4b:s0+s2], $0x80, $0x38;
	[tilespmem:$0x10200] =	vst v63  }
0xcc: {  	s6 =	sand.u32 $0x1FFFFFF0, s6;
	s0 =	sadd.s32 s4, s31;
	s7 =	spop (v2sf)  }
0xcd: {  	[tilespmem:s30], [sflag:$0x1] =	stream.linear.gather [hbm4b:s0+s2], $0x80, $0x38;
	[tilespmem:$0x10200] =	vst v63  }
0xce: {  	s0 =	sadd.s32 s4, s5;
	s5 =	sshll.u32 s7, $0x4;
	s7 =	spop (v2sf)  }
0xcf: {  	[tilespmem:s25], [sflag:$0x1] =	stream.linear.gather [hbm4b:s0+s2], $0x80, $0x38;
	[tilespmem:$0x10200] =	vst v63  }
0xd0: {  	s0 =	sadd.s32 s4, s1;
	s1 =	sand.u32 $0x1FFFFFF0, s5;
	s5 =	sshll.u32 s7, $0x4  }
0xd1: {  	[tilespmem:s24], [sflag:$0x1] =	stream.linear.gather [hbm4b:s0+s2], $0x80, $0x38;
	[tilespmem:$0x10200] =	vst v63  }
0xd2: {  	s5 =	sand.u32 $0x1FFFFFF0, s5;
	s0 =	sadd.s32 s4, s6;
	s6 =	spop (v2sf)  }
0xd3: {  	[tilespmem:s23], [sflag:$0x1] =	stream.linear.gather [hbm4b:s0+s2], $0x80, $0x38;
	[tilespmem:$0x10200] =	vst v63  }
0xd4: {  	s0 =	sadd.s32 s4, s1;
	s1 =	sshll.u32 s6, $0x4;
	s6 =	spop (v2sf)  }
0xd5: {  	[tilespmem:s20], [sflag:$0x1] =	stream.linear.gather [hbm4b:s0+s2], $0x80, $0x38;
	[tilespmem:$0x10200] =	vst v63  }
0xd6: {  	s1 =	sand.u32 $0x1FFFFFF0, s1;
	s0 =	sadd.s32 s4, s5;
	s5 =	sshll.u32 s6, $0x4  }
0xd7: {  	[tilespmem:s19], [sflag:$0x1] =	stream.linear.gather [hbm4b:s0+s2], $0x80, $0x38;
	[tilespmem:$0x10200] =	vst v63  }
0xd8: {  	s1 =	sadd.s32 s4, s1;
	s5 =	sand.u32 $0x1FFFFFF0, s5;
	s0 =	sadd.s32 $0x900, s17  }
0xd9: {  	[tilespmem:s0], [sflag:$0x1] =	stream.linear.gather [hbm4b:s1+s2], $0x80, $0x38;
	[tilespmem:$0x10200] =	vst v63  }
0xda: {  	p0 =	sne.s32 s16, $0x3E000;
	s0 =	sadd.s32 $0x980, s17;
	s1 =	sadd.s32 s4, s5  }
0xdb: {  	[tilespmem:s0], [sflag:$0x1] =	stream.linear.gather [hbm4b:s1+s2], $0x80, $0x38;
	[tilespmem:$0x10200] =	vst v63  }
0xdc: {  	s0 =	smov.u32 s16;
	s16 =	sadd.s32 $0x2000, s16;
	v0 =	vld [tilespmem:s18+$0x0];
	_ =	sdelay $0x4  }
0xdd: {  	v1 =	vnsel vm0, $0x0, v0;
	v2 =	vsel vm3, $0x0, v0;
	v3 =	vsel vm14, $0x0, v0  }
0xde: {  	v4 =	vsel vm2, $0x0, v0;
	v5 =	vsel vm15, $0x0, v0;
	(xrf0) =	vadd.scan.msk.s32 $0xffff, v1  }
0xdf: {  	v6 =	vsel vm6, $0x0, v0;
	v1 =	vsel vm1, $0x0, v0;
	(xrf0) =	vadd.scan.msk.s32 $0xffff, v4  }
0xe0: {  	v4 =	vsel vm7, $0x0, v0;
	(xrf0) =	vadd.scan.msk.s32 $0xffff, v2  }
0xe1: {  	v2 =	vsel vm8, $0x0, v0;
	(xrf0) =	vadd.scan.msk.s32 $0xffff, v1  }
0xe2: {  	v1 =	vsel vm9, $0x0, v0;
	(xrf0) =	vadd.scan.msk.s32 $0xffff, v2  }
0xe3: {  	v2 =	vsel vm5, $0x0, v0;
	(xrf0) =	vadd.scan.msk.s32 $0xffff, v1  }
0xe4: {  	v1 =	vsel vm4, $0x0, v0;
	v7, _, _ =	vpop (xrf0);
	(xrf0) =	vadd.scan.msk.s32 $0xffff, v2  }
0xe5: {  	v2 =	vsel vm10, $0x0, v0;
	(v2sf) =	vpush v7, $0xF;
	v7, _, _ =	vpop (xrf0);
	(xrf0) =	vadd.scan.msk.s32 $0xffff, v1  }
0xe6: {  	v9 =	vsel vm11, $0x0, v0;
	(v2sf) =	vpush v7, $0xF;
	v7, _, _ =	vpop (xrf0);
	(xrf0) =	vadd.scan.msk.s32 $0xffff, v2  }
0xe7: {  	s17 =	sshra.s32 s0, $0x2;
	v2 =	vsel vm12, $0x0, v0;
	v8, _, _ =	vpop (xrf0);
	(v2sf) =	vpush v7, $0xF;
	(xrf0) =	vadd.scan.msk.s32 $0xffff, v9  }
0xe8: {  	s28 =	sadd.s32 $0x300, s17;
	v7 =	vsel vm13, $0x0, v0;
	(v2sf) =	vpush v8, $0xF;
	v1, _, _ =	vpop (xrf0);
	(xrf0) =	vadd.scan.msk.s32 $0xffff, v2  }
0xe9: {  	s26 =	sadd.s32 $0x400, s17;
	s21 =	sadd.s32 $0x580, s17;
	(v2sf) =	vpush v1, $0xF;
	v1, _, _ =	vpop (xrf0);
	(xrf0) =	vadd.scan.msk.s32 $0xffff, v7  }
0xea: {  	s0 =	sadd.s32 $0x200, s17;
	s1 =	sadd.s32 $0x280, s17;
	v0, _, _ =	vpop (xrf0);
	(xrf0) =	vadd.scan.msk.s32 $0xffff, v3  }
0xeb: {  	s22 =	sadd.s32 $0x500, s17;
	v2, _, _ =	vpop (xrf0);
	(xrf0) =	vadd.scan.msk.s32 $0xffff, v6  }
0xec: {  	s29 =	sadd.s32 $0x480, s17;
	(v2sf) =	vpush v2, $0xF;
	(xrf0) =	vadd.scan.msk.s32 $0xffff, v4;
	v2, _, _ =	vpop (xrf0)  }
0xed: {  	(v2sf) =	vpush v0, $0xF;
	v0, _, _ =	vpop (xrf0);
	(xrf0) =	vadd.scan.msk.s32 $0xffff, v5  }
0xee: {  	(v2sf) =	vpush v2, $0xF;
	v2, _, _ =	vpop (xrf0)  }
0xef: {  	v3, _, _ =	vpop (xrf0)  }
0xf0: {  	v4, _, _ =	vpop (xrf0)  }
0xf1: {  	v5, _, _ =	vpop (xrf0);
	(v2sf) =	vpush v1, $0xF  }
0xf2: {  	v1, _, _ =	vpop (xrf0)  }
0xf3: {  	s18 =	sadd.s32 $0x10, s18;
	s20 =	sadd.s32 $0x800, s17;
	s19 =	sadd.s32 $0x880, s17;
	(v2sf) =	vpush v5, $0xF;
	v5, _, _ =	vpop (xrf0)  }
0xf4: {  	s24 =	sadd.s32 $0x700, s17;
	s23 =	sadd.s32 $0x780, s17;
	s5 =	spop (v2sf)  }
0xf5: {  	s25 =	sadd.s32 $0x680, s17;
	s5 =	sshll.u32 s5, $0x4;
	s6 =	spop (v2sf);
	(v2sf) =	vpush v1, $0xF  }
0xf6: {  	s5 =	sand.u32 $0x1FFFFFF0, s5;
	s6 =	sshll.u32 s6, $0x4;
	s7 =	spop (v2sf)  }
0xf7: {  	s5 =	sadd.s32 s4, s5;
	s6 =	sand.u32 $0x1FFFFFF0, s6;
	s8 =	spop (v2sf)  }
0xf8: {  	s7 =	sshll.u32 s7, $0x4;
	s8 =	sshll.u32 s8, $0x4;
	s10 =	spop (v2sf)  }
0xf9: {  	s7 =	sand.u32 $0x1FFFFFF0, s7;
	s8 =	sand.u32 $0x1FFFFFF0, s8;
	s10 =	sshll.u32 s10, $0x4;
	(v2sf) =	vpush v0, $0xF  }
0xfa: {  	[tilespmem:s0], [sflag:$0x1] =	stream.linear.gather [hbm4b:s5+s2], $0x80, $0x38;
	[tilespmem:$0x10200] =	vst v63  }
0xfb: {  	s30 =	sadd.s32 $0x600, s17;
	s31 =	sand.u32 $0x1FFFFFF0, s10;
	s0 =	spop (v2sf)  }
0xfc: {  	s5 =	sadd.s32 $0x380, s17;
	s0 =	sshll.u32 s0, $0x4;
	s10 =	spop (v2sf)  }
0xfd: {  	s0 =	sand.u32 $0x1FFFFFF0, s0;
	s10 =	sshll.u32 s10, $0x4;
	s11 =	spop (v2sf);
	(v2sf) =	vpush v2, $0xF  }
0xfe: {  	s8 =	sadd.s32 s4, s8;
	s10 =	sand.u32 $0x1FFFFFF0, s10;
	s11 =	sshll.u32 s11, $0x4  }
0xff: {  	[tilespmem:s1], [sflag:$0x1] =	stream.linear.gather [hbm4b:s8+s2], $0x80, $0x38;
	(v2sf) =	vpush v3, $0xF;
	[tilespmem:$0x10200] =	vst v63  }
0x100: {  	s6 =	sadd.s32 s4, s6;
	s1 =	sand.u32 $0x1FFFFFF0, s11;
	s8 =	spop (v2sf)  }
0x101: {  	[tilespmem:s28], [sflag:$0x1] =	stream.linear.gather [hbm4b:s6+s2], $0x80, $0x38;
	[tilespmem:$0x10200] =	vst v63  }
0x102: {  	s6 =	sadd.s32 s4, s7;
	s28 =	sshll.u32 s8, $0x4;
	s7 =	spop (v2sf)  }
0x103: {  	[tilespmem:s5], [sflag:$0x1] =	stream.linear.gather [hbm4b:s6+s2], $0x80, $0x38;
	[tilespmem:$0x10200] =	vst v63  }
.Ltmp1:
0x104: {  	(v2sf) =	vpush v4, $0xF;
	(pc) =	sbr.rel @p0 .LBB2_4-.Ltmp1, $4  }
0x105: {  	s0 =	sadd.s32 s4, s0;
	s5 =	sshll.u32 s7, $0x4;
	s6 =	spop (v2sf)  }
0x106: {  	[tilespmem:s26], [sflag:$0x1] =	stream.linear.gather [hbm4b:s0+s2], $0x80, $0x38;
	(v2sf) =	vpush v5, $0xF;
	[tilespmem:$0x10200] =	vst v63  }
0x107: {  	s7 =	sadd.s32 s4, s10;
	s0 =	sand.u32 $0x1FFFFFF0, s5;
	s26 =	sshll.u32 s6, $0x4  }
0x108: {  	[tilespmem:s29], [sflag:$0x1] =	stream.linear.gather [hbm4b:s7+s2], $0x80, $0x38;
	[tilespmem:$0x10200] =	vst v63  }
0x109: {  	s0 =	sadd.s32 s4, s0;
	s5 =	sand.u32 $0x1FFFFFF0, s26;
	s6 =	spop (v2sf)  }
0x10a: {  	[tilespmem:s22], [sflag:$0x1] =	stream.linear.gather [hbm4b:s0+s2], $0x80, $0x38;
	[tilespmem:$0x10200] =	vst v63  }
0x10b: {  	s29 =	sand.u32 $0x1FFFFFF0, s28;
	s31 =	sadd.s32 s4, s31;
	s26 =	sadd.s32 s4, s5  }
0x10c: {  	[tilespmem:s21], [sflag:$0x1] =	stream.linear.gather [hbm4b:s26+s2], $0x80, $0x38;
	[tilespmem:$0x10200] =	vst v63  }
0x10d: {  	s10 =	sadd.s32 s4, s1;
	s6 =	sshll.u32 s6, $0x4;
	s7 =	spop (v2sf)  }
0x10e: {  	[tilespmem:s30], [sflag:$0x1] =	stream.linear.gather [hbm4b:s31+s2], $0x80, $0x38;
	[tilespmem:$0x10200] =	vst v63  }
0x10f: {  	s5 =	sadd.s32 s4, s29;
	s6 =	sand.u32 $0x1FFFFFF0, s6;
	s7 =	sshll.u32 s7, $0x4  }
0x110: {  	[tilespmem:s25], [sflag:$0x1] =	stream.linear.gather [hbm4b:s5+s2], $0x80, $0x38;
	[tilespmem:$0x10200] =	vst v63  }
0x111: {  	s18 =	sadd.s32 s4, s6;
	s8 =	spop (v2sf);
	s11 =	sand.u32 $0x1FFFFFF0, s7  }
0x112: {  	[tilespmem:s24], [sflag:$0x1] =	stream.linear.gather [hbm4b:s10+s2], $0x80, $0x38;
	[tilespmem:$0x10200] =	vst v63  }
0x113: {  	s16 =	sshll.u32 s8, $0x4;
	s22 =	sadd.s32 s4, s11;
	s21 =	spop (v2sf)  }
0x114: {  	[tilespmem:s23], [sflag:$0x1] =	stream.linear.gather [hbm4b:s18+s2], $0x80, $0x38;
	[tilespmem:$0x10200] =	vst v63  }
0x115: {  	s5 =	sand.u32 $0x1FFFFFF0, s16;
	s23 =	sshll.u32 s21, $0x4;
	s24 =	spop (v2sf)  }
0x116: {  	[tilespmem:s20], [sflag:$0x1] =	stream.linear.gather [hbm4b:s22+s2], $0x80, $0x38;
	[tilespmem:$0x10200] =	vst v63  }
0x117: {  	s25 =	sadd.s32 s4, s5;
	s1 =	sand.u32 $0x1FFFFFF0, s23;
	s26 =	sshll.u32 s24, $0x4  }
0x118: {  	[tilespmem:s19], [sflag:$0x1] =	stream.linear.gather [hbm4b:s25+s2], $0x80, $0x38;
	[tilespmem:$0x10200] =	vst v63  }
0x119: {  	s28 =	sadd.s32 $0x900, s17;
	s1 =	sadd.s32 s4, s1;
	s5 =	sand.u32 $0x1FFFFFF0, s26  }
0x11a: {  	[tilespmem:s28], [sflag:$0x1] =	stream.linear.gather [hbm4b:s1+s2], $0x80, $0x38;
	[tilespmem:$0x10200] =	vst v63  }
0x11b: {  	s29 =	sadd.s32 $0x980, s17;
	s30 =	sadd.s32 s4, s5  }
0x11c: {  	[tilespmem:s29], [sflag:$0x1] =	stream.linear.gather [hbm4b:s30+s2], $0x80, $0x38;
	[tilespmem:$0x10200] =	vst v63  }
0x11d: {  	s15 =	sadd.s32 $0x1, s15;
	_ =	swait.ge [sflag:s13], $0x10000  }
0x11e: {  	p0 =	sne.s32 s15, s9;
	[sflag:s13] =	ssyncset.done $0x0  }
.Ltmp2:
0x11f: {  	s31 =	rddreg [dreg:$0x5];
	[sflag:s13] =	ssyncadd.s32 $0xFFFF0000;
	(pc) =	sbr.rel @p0 .LBB2_1-.Ltmp2, $4  }
0x120: {  	[hbm4b:s31+s2] =	stream.linear.scatter [tilespmem:s14], [sflag:$0x2], $0x10000, $0x38;
	[tilespmem:$0x10200] =	vst v63  }
0x121: {  	_ =	swait.ge [sflag:s12], $0x10000  }
0x122: {  	[sflag:s12] =	ssyncset.done $0x0  }
0x123: {  	[sflag:s12] =	ssyncadd.s32 $0xFFFF0000  }
0x124: {  	_ =	sfence.sel $0x180000  }
0x125: {  	[bflag:$0x0] =	sbarrier.arrive $0xFFFF  }
0x126: {  	_ =	strace $0x90000047  }
0x127: {  	s0 =	stileid.u32;
	[bflag:$0x2] =	sbarrier.arrive $0xFFFF  }
0x128: {  	p0 =	sne.s32 s0, $0x0;
	s0 =	rddreg [dreg:$0x1]  }
0x129: {  	s0 =	sadd.s32 @!p0 $0x100000, s0  }
0x12a: {  	[sflag:s0] =	ssyncadd.tile.s32 @!p0 $0x1;
	_ =	shalt  }
.Lfunc_end2:
_tile_overlayer_lowered:
.L_overlay_start_2:
0x12b: {  	(tag) =	ssettag $0x2  }
0x12c: {  	s0 =	rddreg [dreg:$0x0];
	s2 =	stileid.u32  }
0x12d: {  	s1 =	rddreg [dreg:$0x1];
	p0 =	sne.s32 s2, $0x0  }
0x12e: {  	s3 =	rddreg [dreg:$0x2];
	[bflag:$0x3] =	sbarrier.arrive $0xFFFF;
	s2 =	simm.s32 @!p0 $0x1C02  }
0x12f: {  	[timem:s3], [sflag:s2] =	dma.local @!p0 [hbm:s0], s1  }
0x130: {  	s0 =	simm.s32 @!p0 $0x2  }
0x131: {  	_ =	swait.ge @!p0 [sflag:s0], s1  }
0x132: {  	s1 =	ssub.s32 @!p0 $0x0, s1;
	[sflag:s0] =	ssyncset.done @!p0 $0x0  }
0x133: {  	[sflag:s0] =	ssyncadd.s32 @!p0 s1  }
0x134: {  	[bflag:$0x3] =	sbarrier.arrive $0xFFFF  }
0x135: {  	_ =	shalt  }

</sc_bundles>
